<compile_context>
chip_gen: v7x
topology: tpu7x:2x2x1
jax: 0.10.2.dev20260603
libtpu: 0.0.44.dev20260713+nightly
codegen_flags: <defaults>
</compile_context>

<pallas_src>
import functools

import jax
import jax.numpy as jnp
from jax import lax
from jax.experimental import pallas as pl
from jax.experimental.pallas import tpu as pltpu
from jax.experimental.pallas import tpu_sc as plsc

B, A, H, D, K = 4096, 64, 1024, 256, 8192
BETA = 0.25
BB = 256
GRID = B // BB


def _dot(x, y):
    return jnp.dot(x, y, preferred_element_type=jnp.float32)


def _row_sq_norm(e2):
    parts = []
    for s in range(8):
        a = e2[:, s:s + 1]
        for t in range(1, 32):
            a = a + e2[:, t * 8 + s:t * 8 + s + 1]
        parts.append(a)
    b4 = [parts[s] + parts[s + 4] for s in range(4)]
    b2 = [b4[s] + b4[s + 2] for s in range(2)]
    return b2[0] + b2[1]




def _enc_body(a_ref, w1_ref, b1_ref, w2_ref, b2_ref, w3_ref, b3_ref, cb_ref,
              enc_ref, idx_ref):
    a = a_ref[...]
    h = jnp.maximum(_dot(a, w1_ref[...]) + b1_ref[...], 0.0)
    h = jnp.maximum(_dot(h.astype(jnp.bfloat16), w2_ref[...]) + b2_ref[...],
                    0.0)
    enc = _dot(h, w3_ref[...]) + b3_ref[...]
    enc_ref[...] = enc
    cb = cb_ref[...]
    dot = _dot(enc.astype(jnp.bfloat16), cb.astype(jnp.bfloat16).T)
    s_e = _row_sq_norm(enc * enc)
    s_c = jnp.sum(cb * cb, axis=1)[None, :]
    d2 = (s_e + s_c) - 2.0 * dot
    dist = jnp.sqrt(jnp.maximum(d2, 0.0))
    minv = jnp.min(dist, axis=1, keepdims=True)
    jidx = lax.broadcasted_iota(jnp.int32, dist.shape, 1)
    idx_ref[...] = jnp.min(jnp.where(dist == minv, jidx, K), axis=1,
                           keepdims=True)


def _encode_argmin(action, w1, b1, w2, b2, w3, b3, cb):
    full = lambda i: (0, 0)
    return pl.pallas_call(
        _enc_body,
        grid=(GRID,),
        in_specs=[
            pl.BlockSpec((BB, A), lambda i: (i, 0)),
            pl.BlockSpec((A, H), full),
            pl.BlockSpec((1, H), full),
            pl.BlockSpec((H, H), full),
            pl.BlockSpec((1, H), full),
            pl.BlockSpec((H, D), full),
            pl.BlockSpec((1, D), full),
            pl.BlockSpec((K, D), full),
        ],
        out_specs=[
            pl.BlockSpec((BB, D), lambda i: (i, 0)),
            pl.BlockSpec((BB, 1), lambda i: (i, 0)),
        ],
        out_shape=[
            jax.ShapeDtypeStruct((B, D), jnp.float32),
            jax.ShapeDtypeStruct((B, 1), jnp.int32),
        ],
    )(action, w1, b1, w2, b2, w3, b3, cb)



_NC, _NS = 2, 16
_NW = _NC * _NS
_BPW = B // _NW


def _gather_body(table_hbm, idx_hbm, out_hbm, idx_v, rows_v, sem):
    wid = lax.axis_index("s") * _NC + lax.axis_index("c")
    base = wid * _BPW
    pltpu.sync_copy(idx_hbm.at[pl.ds(base, _BPW)], idx_v)
    pltpu.async_copy(table_hbm.at[idx_v], rows_v, sem).wait()
    pltpu.sync_copy(rows_v, out_hbm.at[pl.ds(base, _BPW)])


def _sc_gather(codebook, idx):
    gather = functools.partial(
        pl.kernel,
        out_type=jax.ShapeDtypeStruct((B, D), jnp.float32),
        mesh=plsc.VectorSubcoreMesh(core_axis_name="c", subcore_axis_name="s"),
        scratch_types=[
            pltpu.VMEM((_BPW,), jnp.int32),
            pltpu.VMEM((_BPW, D), jnp.float32),
            pltpu.SemaphoreType.DMA,
        ],
    )(_gather_body)
    return gather(codebook, idx)




def _dec_body(q_ref, enc_ref, w1_ref, b1_ref, w2_ref, b2_ref, hw_ref, hb_ref,
              out_ref, loss_ref, acc_ref):
    i = pl.program_id(0)
    q = q_ref[...]
    dec = jnp.maximum(_dot(q, w1_ref[...]) + b1_ref[...], 0.0)
    dec = jnp.maximum(_dot(dec.astype(jnp.bfloat16), w2_ref[...])
                      + b2_ref[...], 0.0)
    out_ref[...] = jnp.tanh(_dot(dec, hw_ref[...]) + hb_ref[...])
    diff = enc_ref[...] - q
    part = jnp.sum(diff * diff)

    @pl.when(i == 0)
    def _():
        acc_ref[0] = part

    @pl.when(i > 0)
    def _():
        acc_ref[0] = acc_ref[0] + part

    @pl.when(i == pl.num_programs(0) - 1)
    def _():
        loss_ref[0, 0] = acc_ref[0] * ((1.0 + BETA) / (B * D))


def _decode(q, enc, w1, b1, w2, b2, hw, hb):
    full = lambda i: (0, 0)
    return pl.pallas_call(
        _dec_body,
        grid=(GRID,),
        in_specs=[
            pl.BlockSpec((BB, D), lambda i: (i, 0)),
            pl.BlockSpec((BB, D), lambda i: (i, 0)),
            pl.BlockSpec((D, H), full),
            pl.BlockSpec((1, H), full),
            pl.BlockSpec((H, H), full),
            pl.BlockSpec((1, H), full),
            pl.BlockSpec((H, A), full),
            pl.BlockSpec((1, A), full),
        ],
        out_specs=[
            pl.BlockSpec((BB, A), lambda i: (i, 0)),
            pl.BlockSpec(memory_space=pltpu.SMEM),
        ],
        out_shape=[
            jax.ShapeDtypeStruct((B, A), jnp.float32),
            jax.ShapeDtypeStruct((1, 1), jnp.float32),
        ],
        scratch_shapes=[pltpu.SMEM((1,), jnp.float32)],
    )(q, enc, w1, b1, w2, b2, hw, hb)




def kernel(action, enc_w1, enc_b1, enc_w2, enc_b2, enc_w3, enc_b3, codebook,
           dec_w1, dec_b1, dec_w2, dec_b2, head_w, head_b):
    enc, idx2d = _encode_argmin(
        action, enc_w1, enc_b1.reshape(1, H), enc_w2, enc_b2.reshape(1, H),
        enc_w3, enc_b3.reshape(1, D), codebook)
    idx = idx2d.reshape(B)
    quantized = _sc_gather(codebook, idx)
    recons, loss2d = _decode(
        quantized, enc, dec_w1, dec_b1.reshape(1, H), dec_w2,
        dec_b2.reshape(1, H), head_w, head_b.reshape(1, A))
    return recons, idx, loss2d.reshape(())

# --- scband reference (transcript-rebuilt; emitter-appended) ---
"""Pipeline reference for scband-action-vqvae-49452253446164 (READ-ONLY COPY).

The authoritative reference and input builder live on the scoring server;
editing this copy changes nothing except your own understanding.
"""

import jax, jax.numpy as jnp
import numpy as np

B, A, H, D, K = 4096, 64, 1024, 256, 8192
BETA = 0.25


def setup_inputs(seed: int = 0) -> dict:
    key = jax.random.key(seed)
    ks = jax.random.split(key, 10)

    def lin(k, i, o):
        return jax.random.normal(k, (i, o), jnp.float32) * (1.0 / np.sqrt(i))

    return {
        "action": jax.random.normal(ks[0], (B, A), jnp.float32),
        "enc_w1": lin(ks[1], A, H), "enc_b1": jnp.zeros((H,), jnp.float32),
        "enc_w2": lin(ks[2], H, H), "enc_b2": jnp.zeros((H,), jnp.float32),
        "enc_w3": lin(ks[3], H, D), "enc_b3": jnp.zeros((D,), jnp.float32),
        "codebook": jax.random.uniform(ks[4], (K, D), jnp.float32, -1.0 / K, 1.0 / K),
        "dec_w1": lin(ks[5], D, H), "dec_b1": jnp.zeros((H,), jnp.float32),
        "dec_w2": lin(ks[6], H, H), "dec_b2": jnp.zeros((H,), jnp.float32),
        "head_w": lin(ks[7], H, A), "head_b": jnp.zeros((A,), jnp.float32),
    }


def reference(action, enc_w1, enc_b1, enc_w2, enc_b2, enc_w3, enc_b3,
              codebook, dec_w1, dec_b1, dec_w2, dec_b2, head_w, head_b):
    # encoder MLP: Linear+ReLU, Linear+ReLU, Linear
    h = jax.nn.relu(action @ enc_w1 + enc_b1)
    h = jax.nn.relu(h @ enc_w2 + enc_b2)
    enc = h @ enc_w3 + enc_b3  # (B, D)
    # VectorQuantizer.encode: torch.cdist(enc, codebook, p=2).min(-1)[1]
    d2 = (jnp.sum(enc * enc, axis=1, keepdims=True)
          + jnp.sum(codebook * codebook, axis=1)[None, :]
          - 2.0 * (enc @ codebook.T))
    dist = jnp.sqrt(jnp.maximum(d2, 0.0))
    quantized_index = jnp.argmin(dist, axis=-1)  # (B,)
    # one-hot @ codebook (as in original)
    oh = jax.nn.one_hot(quantized_index, codebook.shape[0], dtype=enc.dtype)
    quantized = oh @ codebook  # (B, D)
    # losses
    commitment_loss = jnp.mean((enc - jax.lax.stop_gradient(quantized)) ** 2)
    embedding_loss = jnp.mean((quantized - jax.lax.stop_gradient(enc)) ** 2)
    vq_loss = BETA * commitment_loss + embedding_loss
    # straight-through estimator
    q_st = enc + jax.lax.stop_gradient(quantized - enc)
    # decoder MLP
    d = jax.nn.relu(q_st @ dec_w1 + dec_b1)
    d = jax.nn.relu(d @ dec_w2 + dec_b2)
    # recons_action_head: Linear + Tanh
    recons_action = jnp.tanh(d @ head_w + head_b)
    return recons_action, quantized_index, vq_loss

if __name__ == "__main__":
    import jax
    _d = setup_inputs()
    print(jax.jit(kernel)(*tuple(_d.values())))

</pallas_src>

<mosaic_0001>
#map = affine_map<(d0, d1) -> (0, 0)>
#map1 = affine_map<(d0, d1) -> (0)>
module attributes {stable_mosaic.version = 14 : i64} {
  func.func @_gather_body(%arg0: i32, %arg1: i32, %arg2: memref<8192x256xf32, #tpu.memory_space<hbm>>, %arg3: memref<4096xi32, #tpu.memory_space<hbm>>, %arg4: memref<4096x256xf32, #tpu.memory_space<hbm>>, %arg5: memref<128xi32, #tpu.memory_space<vmem>>, %arg6: memref<128x256xf32, #tpu.memory_space<vmem>>, %arg7: memref<!tpu.dma_semaphore, #tpu.memory_space<semaphore_mem>>) attributes {dimension_semantics = [#tpu.dimension_semantics<core_parallel>, #tpu.dimension_semantics<subcore_parallel>], iteration_bounds = array<i64: 2, 16>, scalar_prefetch = 0 : i64, scratch_operands = 3 : i64, tpu.core_type = #tpu.core_type<sc_vector_subcore>, window_params = [{transform_indices = #map}, {transform_indices = #map1}, {transform_indices = #map}]} {
    %mul3A = arith.constant 2 : i32
    %mul3A_0 = arith.muli %arg1, %mul3A : i32
    %add3A = arith.addi %mul3A_0, %arg0 : i32
    %mul3A_1 = arith.constant 128 : i32
    %mul3A_2 = arith.muli %add3A, %mul3A_1 : i32
    "tpu.region"() ({
      %run_scoped3A = tpu.sem_alloc : memref<!tpu.dma_semaphore, #tpu.memory_space<semaphore_mem>>
      %dma_start3A_7 = tpu.memref_slice %arg3[%mul3A_2] : memref<4096xi32, #tpu.memory_space<hbm>> -> memref<128xi32, #tpu.memory_space<hbm>>
      %dma_start3A_8 = tpu.memref_slice %arg3[%mul3A_2] : memref<4096xi32, #tpu.memory_space<hbm>> -> memref<128xi32, #tpu.memory_space<hbm>>
      tpu.enqueue_dma source(%dma_start3A_8 : memref<128xi32, #tpu.memory_space<hbm>>) target(%arg5 : memref<128xi32, #tpu.memory_space<vmem>>) target_semaphore(%run_scoped3A : memref<!tpu.dma_semaphore, #tpu.memory_space<semaphore_mem>>)
      %dma_wait3A_9 = tpu.memref_slice %arg3[%mul3A_2] : memref<4096xi32, #tpu.memory_space<hbm>> -> memref<128xi32, #tpu.memory_space<hbm>>
      %dma_wait3A_10 = tpu.memref_slice %arg3[%mul3A_2] : memref<4096xi32, #tpu.memory_space<hbm>> -> memref<128xi32, #tpu.memory_space<hbm>>
      tpu.wait_dma2 semaphore(%run_scoped3A : memref<!tpu.dma_semaphore, #tpu.memory_space<semaphore_mem>>) src(%dma_wait3A_10 : memref<128xi32, #tpu.memory_space<hbm>>) dst(%arg5 : memref<128xi32, #tpu.memory_space<vmem>>)
      tpu.yield
    }) : () -> ()
    %dma_start3A = arith.constant 0 : i32
    %dma_start3A_3 = arith.constant 0 : i32
    %dma_start3A_4 = tpu.memref_slice %arg2[%dma_start3A, %dma_start3A_3] : memref<8192x256xf32, #tpu.memory_space<hbm>> -> memref<8192x256xf32, #tpu.memory_space<hbm>>
    tpu.enqueue_indirect_dma source(%dma_start3A_4 : memref<8192x256xf32, #tpu.memory_space<hbm>>) target(%arg6 : memref<128x256xf32, #tpu.memory_space<vmem>>) offsets(%arg5 : memref<128xi32, #tpu.memory_space<vmem>>) semaphore(%arg7 : memref<!tpu.dma_semaphore, #tpu.memory_space<semaphore_mem>>)
    %dma_wait3A = arith.constant 0 : i32
    %dma_wait3A_5 = arith.constant 0 : i32
    %dma_wait3A_6 = tpu.memref_slice %arg2[%dma_wait3A, %dma_wait3A_5] : memref<8192x256xf32, #tpu.memory_space<hbm>> -> memref<8192x256xf32, #tpu.memory_space<hbm>>
    tpu.wait_indirect_dma semaphore(%arg7 : memref<!tpu.dma_semaphore, #tpu.memory_space<semaphore_mem>>) src(%dma_wait3A_6 : memref<8192x256xf32, #tpu.memory_space<hbm>>) dst(%arg6 : memref<128x256xf32, #tpu.memory_space<vmem>>)
    "tpu.region"() ({
      %run_scoped3A = tpu.sem_alloc : memref<!tpu.dma_semaphore, #tpu.memory_space<semaphore_mem>>
      %dma_start3A_7 = arith.constant 0 : i32
      %dma_start3A_8 = tpu.memref_slice %arg4[%mul3A_2, %dma_start3A_7] : memref<4096x256xf32, #tpu.memory_space<hbm>> -> memref<128x256xf32, #tpu.memory_space<hbm>>
      %dma_start3A_9 = arith.constant 0 : i32
      %dma_start3A_10 = tpu.memref_slice %arg4[%mul3A_2, %dma_start3A_9] : memref<4096x256xf32, #tpu.memory_space<hbm>> -> memref<128x256xf32, #tpu.memory_space<hbm>>
      tpu.enqueue_dma source(%arg6 : memref<128x256xf32, #tpu.memory_space<vmem>>) target(%dma_start3A_10 : memref<128x256xf32, #tpu.memory_space<hbm>>) target_semaphore(%run_scoped3A : memref<!tpu.dma_semaphore, #tpu.memory_space<semaphore_mem>>)
      %dma_wait3A_11 = arith.constant 0 : i32
      %dma_wait3A_12 = tpu.memref_slice %arg4[%mul3A_2, %dma_wait3A_11] : memref<4096x256xf32, #tpu.memory_space<hbm>> -> memref<128x256xf32, #tpu.memory_space<hbm>>
      %dma_wait3A_13 = arith.constant 0 : i32
      %dma_wait3A_14 = tpu.memref_slice %arg4[%mul3A_2, %dma_wait3A_13] : memref<4096x256xf32, #tpu.memory_space<hbm>> -> memref<128x256xf32, #tpu.memory_space<hbm>>
      tpu.wait_dma2 semaphore(%run_scoped3A : memref<!tpu.dma_semaphore, #tpu.memory_space<semaphore_mem>>) src(%arg6 : memref<128x256xf32, #tpu.memory_space<vmem>>) dst(%dma_wait3A_14 : memref<128x256xf32, #tpu.memory_space<hbm>>)
      tpu.yield
    }) : () -> ()
    return
  }
}

module attributes {stable_mosaic.version = 14 : i64} {
  func.func @_enc_body(%arg0: i32, %arg1: memref<256x64xf32, #tpu.memory_space<vmem>>, %arg2: memref<64x1024xf32, #tpu.memory_space<vmem>>, %arg3: memref<1x1024xf32, #tpu.memory_space<vmem>>, %arg4: memref<1024x1024xf32, #tpu.memory_space<vmem>>, %arg5: memref<1x1024xf32, #tpu.memory_space<vmem>>, %arg6: memref<1024x256xf32, #tpu.memory_space<vmem>>, %arg7: memref<1x256xf32, #tpu.memory_space<vmem>>, %arg8: memref<8192x256xf32, #tpu.memory_space<vmem>>, %arg9: memref<256x256xf32, #tpu.memory_space<vmem>>, %arg10: memref<256x1xi32, #tpu.memory_space<vmem>>) attributes {dimension_semantics = [#tpu.dimension_semantics<arbitrary>], iteration_bounds = array<i64: 16>, scalar_prefetch = 0 : i64, scratch_operands = 0 : i64, tpu.core_type = #tpu.core_type<tc>, window_params = [{transform_indices = @transform_0, window_bounds = array<i64: 256, 64>}, {pipeline_mode = #tpu.pipeline_mode<synchronous>, transform_indices = @transform_1, window_bounds = array<i64: 64, 1024>}, {pipeline_mode = #tpu.pipeline_mode<synchronous>, transform_indices = @transform_2, window_bounds = array<i64: 1, 1024>}, {pipeline_mode = #tpu.pipeline_mode<synchronous>, transform_indices = @transform_3, window_bounds = array<i64: 1024, 1024>}, {pipeline_mode = #tpu.pipeline_mode<synchronous>, transform_indices = @transform_4, window_bounds = array<i64: 1, 1024>}, {pipeline_mode = #tpu.pipeline_mode<synchronous>, transform_indices = @transform_5, window_bounds = array<i64: 1024, 256>}, {pipeline_mode = #tpu.pipeline_mode<synchronous>, transform_indices = @transform_6, window_bounds = array<i64: 1, 256>}, {pipeline_mode = #tpu.pipeline_mode<synchronous>, transform_indices = @transform_7, window_bounds = array<i64: 8192, 256>}, {transform_indices = @transform_8, window_bounds = array<i64: 256, 256>}, {transform_indices = @transform_9, window_bounds = array<i64: 256, 1>}]} {
    %get3A = arith.constant 0 : index
    %get3A_0 = arith.constant 0 : index
    %get3A_1 = vector.load %arg1[%get3A, %get3A_0] : memref<256x64xf32, #tpu.memory_space<vmem>>, vector<256x64xf32>
    %get3A_2 = arith.constant 0 : index
    %get3A_3 = arith.constant 0 : index
    %get3A_4 = vector.load %arg2[%get3A_2, %get3A_3] : memref<64x1024xf32, #tpu.memory_space<vmem>>, vector<64x1024xf32>
    %dot_general3A = arith.constant dense<0.000000e+00> : vector<256x1024xf32>
    %dot_general3A_5 = tpu.matmul %get3A_1, %get3A_4, %dot_general3A {dimension_numbers = #tpu.dot_dimension_numbers<[1], [0], [0], [1], [0, 0, 1, 1], [], []>, transpose_lhs_hint = false} : vector<256x64xf32>, vector<64x1024xf32>, vector<256x1024xf32> -> vector<256x1024xf32>
    %get3A_6 = arith.constant 0 : index
    %get3A_7 = arith.constant 0 : index
    %get3A_8 = vector.load %arg3[%get3A_6, %get3A_7] : memref<1x1024xf32, #tpu.memory_space<vmem>>, vector<1x1024xf32>
    %add3A = vector.broadcast %get3A_8 : vector<1x1024xf32> to vector<256x1024xf32>
    %add3A_9 = arith.addf %dot_general3A_5, %add3A : vector<256x1024xf32>
    %max3A = arith.constant 0.000000e+00 : f32
    %max3A_10 = vector.broadcast %max3A : f32 to vector<256x1024xf32>
    %max3A_11 = arith.maximumf %add3A_9, %max3A_10 : vector<256x1024xf32>
    %convert_element_type3A = arith.truncf %max3A_11 : vector<256x1024xf32> to vector<256x1024xbf16>
    %get3A_12 = arith.constant 0 : index
    %get3A_13 = arith.constant 0 : index
    %get3A_14 = vector.load %arg4[%get3A_12, %get3A_13] : memref<1024x1024xf32, #tpu.memory_space<vmem>>, vector<1024x1024xf32>
    %dot_general3A_15 = arith.constant dense<0.000000e+00> : vector<256x1024xf32>
    %dot_general3A_16 = tpu.matmul %convert_element_type3A, %get3A_14, %dot_general3A_15 {dimension_numbers = #tpu.dot_dimension_numbers<[1], [0], [0], [1], [0, 0, 1, 1], [], []>, transpose_lhs_hint = false} : vector<256x1024xbf16>, vector<1024x1024xf32>, vector<256x1024xf32> -> vector<256x1024xf32>
    %get3A_17 = arith.constant 0 : index
    %get3A_18 = arith.constant 0 : index
    %get3A_19 = vector.load %arg5[%get3A_17, %get3A_18] : memref<1x1024xf32, #tpu.memory_space<vmem>>, vector<1x1024xf32>
    %add3A_20 = vector.broadcast %get3A_19 : vector<1x1024xf32> to vector<256x1024xf32>
    %add3A_21 = arith.addf %dot_general3A_16, %add3A_20 : vector<256x1024xf32>
    %max3A_22 = arith.constant 0.000000e+00 : f32
    %max3A_23 = vector.broadcast %max3A_22 : f32 to vector<256x1024xf32>
    %max3A_24 = arith.maximumf %add3A_21, %max3A_23 : vector<256x1024xf32>
    %get3A_25 = arith.constant 0 : index
    %get3A_26 = arith.constant 0 : index
    %get3A_27 = vector.load %arg6[%get3A_25, %get3A_26] : memref<1024x256xf32, #tpu.memory_space<vmem>>, vector<1024x256xf32>
    %dot_general3A_28 = arith.constant dense<0.000000e+00> : vector<256x256xf32>
    %dot_general3A_29 = tpu.matmul %max3A_24, %get3A_27, %dot_general3A_28 {dimension_numbers = #tpu.dot_dimension_numbers<[1], [0], [0], [1], [0, 0, 1, 1], [], []>, transpose_lhs_hint = false} : vector<256x1024xf32>, vector<1024x256xf32>, vector<256x256xf32> -> vector<256x256xf32>
    %get3A_30 = arith.constant 0 : index
    %get3A_31 = arith.constant 0 : index
    %get3A_32 = vector.load %arg7[%get3A_30, %get3A_31] : memref<1x256xf32, #tpu.memory_space<vmem>>, vector<1x256xf32>
    %add3A_33 = vector.broadcast %get3A_32 : vector<1x256xf32> to vector<256x256xf32>
    %add3A_34 = arith.addf %dot_general3A_29, %add3A_33 : vector<256x256xf32>
    %swap3A = arith.constant 0 : index
    %swap3A_35 = arith.constant 0 : index
    %swap3A_36 = vector.load %arg9[%swap3A, %swap3A_35] : memref<256x256xf32, #tpu.memory_space<vmem>>, vector<256x256xf32>
    tpu.vector_store %arg9[%swap3A, %swap3A_35], %add3A_34 {strides = array<i32>} : memref<256x256xf32, #tpu.memory_space<vmem>>, vector<256x256xf32>,
    %get3A_37 = arith.constant 0 : index
    %get3A_38 = arith.constant 0 : index
    %get3A_39 = vector.load %arg8[%get3A_37, %get3A_38] : memref<8192x256xf32, #tpu.memory_space<vmem>>, vector<8192x256xf32>
    %convert_element_type3A_40 = arith.truncf %add3A_34 : vector<256x256xf32> to vector<256x256xbf16>
    %convert_element_type3A_41 = arith.truncf %get3A_39 : vector<8192x256xf32> to vector<8192x256xbf16>
    %transpose3A = tpu.transpose %convert_element_type3A_41, [1, 0] : vector<8192x256xbf16> -> vector<256x8192xbf16>
    %dot_general3A_42 = arith.constant dense<0.000000e+00> : vector<256x8192xf32>
    %dot_general3A_43 = tpu.matmul %convert_element_type3A_40, %transpose3A, %dot_general3A_42 {dimension_numbers = #tpu.dot_dimension_numbers<[1], [0], [0], [1], [0, 0, 1, 1], [], []>, transpose_lhs_hint = false} : vector<256x256xbf16>, vector<256x8192xbf16>, vector<256x8192xf32> -> vector<256x8192xf32>
    %mul3A = arith.mulf %add3A_34, %add3A_34 : vector<256x256xf32>
    %slice3A = vector.extract_strided_slice %mul3A {offsets = [0, 0], sizes = [256, 1], strides = [1, 1]} : vector<256x256xf32> to vector<256x1xf32>
    %slice3A_44 = vector.extract_strided_slice %mul3A {offsets = [0, 8], sizes = [256, 1], strides = [1, 1]} : vector<256x256xf32> to vector<256x1xf32>
    %add3A_45 = arith.addf %slice3A, %slice3A_44 : vector<256x1xf32>
    %slice3A_46 = vector.extract_strided_slice %mul3A {offsets = [0, 16], sizes = [256, 1], strides = [1, 1]} : vector<256x256xf32> to vector<256x1xf32>
    %add3A_47 = arith.addf %add3A_45, %slice3A_46 : vector<256x1xf32>
    %slice3A_48 = vector.extract_strided_slice %mul3A {offsets = [0, 24], sizes = [256, 1], strides = [1, 1]} : vector<256x256xf32> to vector<256x1xf32>
    %add3A_49 = arith.addf %add3A_47, %slice3A_48 : vector<256x1xf32>
    %slice3A_50 = vector.extract_strided_slice %mul3A {offsets = [0, 32], sizes = [256, 1], strides = [1, 1]} : vector<256x256xf32> to vector<256x1xf32>
    %add3A_51 = arith.addf %add3A_49, %slice3A_50 : vector<256x1xf32>
    %slice3A_52 = vector.extract_strided_slice %mul3A {offsets = [0, 40], sizes = [256, 1], strides = [1, 1]} : vector<256x256xf32> to vector<256x1xf32>
    %add3A_53 = arith.addf %add3A_51, %slice3A_52 : vector<256x1xf32>
    %slice3A_54 = vector.extract_strided_slice %mul3A {offsets = [0, 48], sizes = [256, 1], strides = [1, 1]} : vector<256x256xf32> to vector<256x1xf32>
    %add3A_55 = arith.addf %add3A_53, %slice3A_54 : vector<256x1xf32>
    %slice3A_56 = vector.extract_strided_slice %mul3A {offsets = [0, 56], sizes = [256, 1], strides = [1, 1]} : vector<256x256xf32> to vector<256x1xf32>
    %add3A_57 = arith.addf %add3A_55, %slice3A_56 : vector<256x1xf32>
    %slice3A_58 = vector.extract_strided_slice %mul3A {offsets = [0, 64], sizes = [256, 1], strides = [1, 1]} : vector<256x256xf32> to vector<256x1xf32>
    %add3A_59 = arith.addf %add3A_57, %slice3A_58 : vector<256x1xf32>
    %slice3A_60 = vector.extract_strided_slice %mul3A {offsets = [0, 72], sizes = [256, 1], strides = [1, 1]} : vector<256x256xf32> to vector<256x1xf32>
    %add3A_61 = arith.addf %add3A_59, %slice3A_60 : vector<256x1xf32>
    %slice3A_62 = vector.extract_strided_slice %mul3A {offsets = [0, 80], sizes = [256, 1], strides = [1, 1]} : vector<256x256xf32> to vector<256x1xf32>
    %add3A_63 = arith.addf %add3A_61, %slice3A_62 : vector<256x1xf32>
    %slice3A_64 = vector.extract_strided_slice %mul3A {offsets = [0, 88], sizes = [256, 1], strides = [1, 1]} : vector<256x256xf32> to vector<256x1xf32>
    %add3A_65 = arith.addf %add3A_63, %slice3A_64 : vector<256x1xf32>
    %slice3A_66 = vector.extract_strided_slice %mul3A {offsets = [0, 96], sizes = [256, 1], strides = [1, 1]} : vector<256x256xf32> to vector<256x1xf32>
    %add3A_67 = arith.addf %add3A_65, %slice3A_66 : vector<256x1xf32>
    %slice3A_68 = vector.extract_strided_slice %mul3A {offsets = [0, 104], sizes = [256, 1], strides = [1, 1]} : vector<256x256xf32> to vector<256x1xf32>
    %add3A_69 = arith.addf %add3A_67, %slice3A_68 : vector<256x1xf32>
    %slice3A_70 = vector.extract_strided_slice %mul3A {offsets = [0, 112], sizes = [256, 1], strides = [1, 1]} : vector<256x256xf32> to vector<256x1xf32>
    %add3A_71 = arith.addf %add3A_69, %slice3A_70 : vector<256x1xf32>
    %slice3A_72 = vector.extract_strided_slice %mul3A {offsets = [0, 120], sizes = [256, 1], strides = [1, 1]} : vector<256x256xf32> to vector<256x1xf32>
    %add3A_73 = arith.addf %add3A_71, %slice3A_72 : vector<256x1xf32>
    %slice3A_74 = vector.extract_strided_slice %mul3A {offsets = [0, 128], sizes = [256, 1], strides = [1, 1]} : vector<256x256xf32> to vector<256x1xf32>
    %add3A_75 = arith.addf %add3A_73, %slice3A_74 : vector<256x1xf32>
    %slice3A_76 = vector.extract_strided_slice %mul3A {offsets = [0, 136], sizes = [256, 1], strides = [1, 1]} : vector<256x256xf32> to vector<256x1xf32>
    %add3A_77 = arith.addf %add3A_75, %slice3A_76 : vector<256x1xf32>
    %slice3A_78 = vector.extract_strided_slice %mul3A {offsets = [0, 144], sizes = [256, 1], strides = [1, 1]} : vector<256x256xf32> to vector<256x1xf32>
    %add3A_79 = arith.addf %add3A_77, %slice3A_78 : vector<256x1xf32>
    %slice3A_80 = vector.extract_strided_slice %mul3A {offsets = [0, 152], sizes = [256, 1], strides = [1, 1]} : vector<256x256xf32> to vector<256x1xf32>
    %add3A_81 = arith.addf %add3A_79, %slice3A_80 : vector<256x1xf32>
    %slice3A_82 = vector.extract_strided_slice %mul3A {offsets = [0, 160], sizes = [256, 1], strides = [1, 1]} : vector<256x256xf32> to vector<256x1xf32>
    %add3A_83 = arith.addf %add3A_81, %slice3A_82 : vector<256x1xf32>
    %slice3A_84 = vector.extract_strided_slice %mul3A {offsets = [0, 168], sizes = [256, 1], strides = [1, 1]} : vector<256x256xf32> to vector<256x1xf32>
    %add3A_85 = arith.addf %add3A_83, %slice3A_84 : vector<256x1xf32>
    %slice3A_86 = vector.extract_strided_slice %mul3A {offsets = [0, 176], sizes = [256, 1], strides = [1, 1]} : vector<256x256xf32> to vector<256x1xf32>
    %add3A_87 = arith.addf %add3A_85, %slice3A_86 : vector<256x1xf32>
    %slice3A_88 = vector.extract_strided_slice %mul3A {offsets = [0, 184], sizes = [256, 1], strides = [1, 1]} : vector<256x256xf32> to vector<256x1xf32>
    %add3A_89 = arith.addf %add3A_87, %slice3A_88 : vector<256x1xf32>
    %slice3A_90 = vector.extract_strided_slice %mul3A {offsets = [0, 192], sizes = [256, 1], strides = [1, 1]} : vector<256x256xf32> to vector<256x1xf32>
    %add3A_91 = arith.addf %add3A_89, %slice3A_90 : vector<256x1xf32>
    %slice3A_92 = vector.extract_strided_slice %mul3A {offsets = [0, 200], sizes = [256, 1], strides = [1, 1]} : vector<256x256xf32> to vector<256x1xf32>
    %add3A_93 = arith.addf %add3A_91, %slice3A_92 : vector<256x1xf32>
    %slice3A_94 = vector.extract_strided_slice %mul3A {offsets = [0, 208], sizes = [256, 1], strides = [1, 1]} : vector<256x256xf32> to vector<256x1xf32>
    %add3A_95 = arith.addf %add3A_93, %slice3A_94 : vector<256x1xf32>
    %slice3A_96 = vector.extract_strided_slice %mul3A {offsets = [0, 216], sizes = [256, 1], strides = [1, 1]} : vector<256x256xf32> to vector<256x1xf32>
    %add3A_97 = arith.addf %add3A_95, %slice3A_96 : vector<256x1xf32>
    %slice3A_98 = vector.extract_strided_slice %mul3A {offsets = [0, 224], sizes = [256, 1], strides = [1, 1]} : vector<256x256xf32> to vector<256x1xf32>
    %add3A_99 = arith.addf %add3A_97, %slice3A_98 : vector<256x1xf32>
    %slice3A_100 = vector.extract_strided_slice %mul3A {offsets = [0, 232], sizes = [256, 1], strides = [1, 1]} : vector<256x256xf32> to vector<256x1xf32>
    %add3A_101 = arith.addf %add3A_99, %slice3A_100 : vector<256x1xf32>
    %slice3A_102 = vector.extract_strided_slice %mul3A {offsets = [0, 240], sizes = [256, 1], strides = [1, 1]} : vector<256x256xf32> to vector<256x1xf32>
    %add3A_103 = arith.addf %add3A_101, %slice3A_102 : vector<256x1xf32>
    %slice3A_104 = vector.extract_strided_slice %mul3A {offsets = [0, 248], sizes = [256, 1], strides = [1, 1]} : vector<256x256xf32> to vector<256x1xf32>
    %add3A_105 = arith.addf %add3A_103, %slice3A_104 : vector<256x1xf32>
    %slice3A_106 = vector.extract_strided_slice %mul3A {offsets = [0, 1], sizes = [256, 1], strides = [1, 1]} : vector<256x256xf32> to vector<256x1xf32>
    %slice3A_107 = vector.extract_strided_slice %mul3A {offsets = [0, 9], sizes = [256, 1], strides = [1, 1]} : vector<256x256xf32> to vector<256x1xf32>
    %add3A_108 = arith.addf %slice3A_106, %slice3A_107 : vector<256x1xf32>
    %slice3A_109 = vector.extract_strided_slice %mul3A {offsets = [0, 17], sizes = [256, 1], strides = [1, 1]} : vector<256x256xf32> to vector<256x1xf32>
    %add3A_110 = arith.addf %add3A_108, %slice3A_109 : vector<256x1xf32>
    %slice3A_111 = vector.extract_strided_slice %mul3A {offsets = [0, 25], sizes = [256, 1], strides = [1, 1]} : vector<256x256xf32> to vector<256x1xf32>
    %add3A_112 = arith.addf %add3A_110, %slice3A_111 : vector<256x1xf32>
    %slice3A_113 = vector.extract_strided_slice %mul3A {offsets = [0, 33], sizes = [256, 1], strides = [1, 1]} : vector<256x256xf32> to vector<256x1xf32>
    %add3A_114 = arith.addf %add3A_112, %slice3A_113 : vector<256x1xf32>
    %slice3A_115 = vector.extract_strided_slice %mul3A {offsets = [0, 41], sizes = [256, 1], strides = [1, 1]} : vector<256x256xf32> to vector<256x1xf32>
    %add3A_116 = arith.addf %add3A_114, %slice3A_115 : vector<256x1xf32>
    %slice3A_117 = vector.extract_strided_slice %mul3A {offsets = [0, 49], sizes = [256, 1], strides = [1, 1]} : vector<256x256xf32> to vector<256x1xf32>
    %add3A_118 = arith.addf %add3A_116, %slice3A_117 : vector<256x1xf32>
    %slice3A_119 = vector.extract_strided_slice %mul3A {offsets = [0, 57], sizes = [256, 1], strides = [1, 1]} : vector<256x256xf32> to vector<256x1xf32>
    %add3A_120 = arith.addf %add3A_118, %slice3A_119 : vector<256x1xf32>
    %slice3A_121 = vector.extract_strided_slice %mul3A {offsets = [0, 65], sizes = [256, 1], strides = [1, 1]} : vector<256x256xf32> to vector<256x1xf32>
    %add3A_122 = arith.addf %add3A_120, %slice3A_121 : vector<256x1xf32>
    %slice3A_123 = vector.extract_strided_slice %mul3A {offsets = [0, 73], sizes = [256, 1], strides = [1, 1]} : vector<256x256xf32> to vector<256x1xf32>
    %add3A_124 = arith.addf %add3A_122, %slice3A_123 : vector<256x1xf32>
    %slice3A_125 = vector.extract_strided_slice %mul3A {offsets = [0, 81], sizes = [256, 1], strides = [1, 1]} : vector<256x256xf32> to vector<256x1xf32>
    %add3A_126 = arith.addf %add3A_124, %slice3A_125 : vector<256x1xf32>
    %slice3A_127 = vector.extract_strided_slice %mul3A {offsets = [0, 89], sizes = [256, 1], strides = [1, 1]} : vector<256x256xf32> to vector<256x1xf32>
    %add3A_128 = arith.addf %add3A_126, %slice3A_127 : vector<256x1xf32>
    %slice3A_129 = vector.extract_strided_slice %mul3A {offsets = [0, 97], sizes = [256, 1], strides = [1, 1]} : vector<256x256xf32> to vector<256x1xf32>
    %add3A_130 = arith.addf %add3A_128, %slice3A_129 : vector<256x1xf32>
    %slice3A_131 = vector.extract_strided_slice %mul3A {offsets = [0, 105], sizes = [256, 1], strides = [1, 1]} : vector<256x256xf32> to vector<256x1xf32>
    %add3A_132 = arith.addf %add3A_130, %slice3A_131 : vector<256x1xf32>
    %slice3A_133 = vector.extract_strided_slice %mul3A {offsets = [0, 113], sizes = [256, 1], strides = [1, 1]} : vector<256x256xf32> to vector<256x1xf32>
    %add3A_134 = arith.addf %add3A_132, %slice3A_133 : vector<256x1xf32>
    %slice3A_135 = vector.extract_strided_slice %mul3A {offsets = [0, 121], sizes = [256, 1], strides = [1, 1]} : vector<256x256xf32> to vector<256x1xf32>
    %add3A_136 = arith.addf %add3A_134, %slice3A_135 : vector<256x1xf32>
    %slice3A_137 = vector.extract_strided_slice %mul3A {offsets = [0, 129], sizes = [256, 1], strides = [1, 1]} : vector<256x256xf32> to vector<256x1xf32>
    %add3A_138 = arith.addf %add3A_136, %slice3A_137 : vector<256x1xf32>
    %slice3A_139 = vector.extract_strided_slice %mul3A {offsets = [0, 137], sizes = [256, 1], strides = [1, 1]} : vector<256x256xf32> to vector<256x1xf32>
    %add3A_140 = arith.addf %add3A_138, %slice3A_139 : vector<256x1xf32>
    %slice3A_141 = vector.extract_strided_slice %mul3A {offsets = [0, 145], sizes = [256, 1], strides = [1, 1]} : vector<256x256xf32> to vector<256x1xf32>
    %add3A_142 = arith.addf %add3A_140, %slice3A_141 : vector<256x1xf32>
    %slice3A_143 = vector.extract_strided_slice %mul3A {offsets = [0, 153], sizes = [256, 1], strides = [1, 1]} : vector<256x256xf32> to vector<256x1xf32>
    %add3A_144 = arith.addf %add3A_142, %slice3A_143 : vector<256x1xf32>
    %slice3A_145 = vector.extract_strided_slice %mul3A {offsets = [0, 161], sizes = [256, 1], strides = [1, 1]} : vector<256x256xf32> to vector<256x1xf32>
    %add3A_146 = arith.addf %add3A_144, %slice3A_145 : vector<256x1xf32>
    %slice3A_147 = vector.extract_strided_slice %mul3A {offsets = [0, 169], sizes = [256, 1], strides = [1, 1]} : vector<256x256xf32> to vector<256x1xf32>
    %add3A_148 = arith.addf %add3A_146, %slice3A_147 : vector<256x1xf32>
    %slice3A_149 = vector.extract_strided_slice %mul3A {offsets = [0, 177], sizes = [256, 1], strides = [1, 1]} : vector<256x256xf32> to vector<256x1xf32>
    %add3A_150 = arith.addf %add3A_148, %slice3A_149 : vector<256x1xf32>
    %slice3A_151 = vector.extract_strided_slice %mul3A {offsets = [0, 185], sizes = [256, 1], strides = [1, 1]} : vector<256x256xf32> to vector<256x1xf32>
    %add3A_152 = arith.addf %add3A_150, %slice3A_151 : vector<256x1xf32>
    %slice3A_153 = vector.extract_strided_slice %mul3A {offsets = [0, 193], sizes = [256, 1], strides = [1, 1]} : vector<256x256xf32> to vector<256x1xf32>
    %add3A_154 = arith.addf %add3A_152, %slice3A_153 : vector<256x1xf32>
    %slice3A_155 = vector.extract_strided_slice %mul3A {offsets = [0, 201], sizes = [256, 1], strides = [1, 1]} : vector<256x256xf32> to vector<256x1xf32>
    %add3A_156 = arith.addf %add3A_154, %slice3A_155 : vector<256x1xf32>
    %slice3A_157 = vector.extract_strided_slice %mul3A {offsets = [0, 209], sizes = [256, 1], strides = [1, 1]} : vector<256x256xf32> to vector<256x1xf32>
    %add3A_158 = arith.addf %add3A_156, %slice3A_157 : vector<256x1xf32>
    %slice3A_159 = vector.extract_strided_slice %mul3A {offsets = [0, 217], sizes = [256, 1], strides = [1, 1]} : vector<256x256xf32> to vector<256x1xf32>
    %add3A_160 = arith.addf %add3A_158, %slice3A_159 : vector<256x1xf32>
    %slice3A_161 = vector.extract_strided_slice %mul3A {offsets = [0, 225], sizes = [256, 1], strides = [1, 1]} : vector<256x256xf32> to vector<256x1xf32>
    %add3A_162 = arith.addf %add3A_160, %slice3A_161 : vector<256x1xf32>
    %slice3A_163 = vector.extract_strided_slice %mul3A {offsets = [0, 233], sizes = [256, 1], strides = [1, 1]} : vector<256x256xf32> to vector<256x1xf32>
    %add3A_164 = arith.addf %add3A_162, %slice3A_163 : vector<256x1xf32>
    %slice3A_165 = vector.extract_strided_slice %mul3A {offsets = [0, 241], sizes = [256, 1], strides = [1, 1]} : vector<256x256xf32> to vector<256x1xf32>
    %add3A_166 = arith.addf %add3A_164, %slice3A_165 : vector<256x1xf32>
    %slice3A_167 = vector.extract_strided_slice %mul3A {offsets = [0, 249], sizes = [256, 1], strides = [1, 1]} : vector<256x256xf32> to vector<256x1xf32>
    %add3A_168 = arith.addf %add3A_166, %slice3A_167 : vector<256x1xf32>
    %slice3A_169 = vector.extract_strided_slice %mul3A {offsets = [0, 2], sizes = [256, 1], strides = [1, 1]} : vector<256x256xf32> to vector<256x1xf32>
    %slice3A_170 = vector.extract_strided_slice %mul3A {offsets = [0, 10], sizes = [256, 1], strides = [1, 1]} : vector<256x256xf32> to vector<256x1xf32>
    %add3A_171 = arith.addf %slice3A_169, %slice3A_170 : vector<256x1xf32>
    %slice3A_172 = vector.extract_strided_slice %mul3A {offsets = [0, 18], sizes = [256, 1], strides = [1, 1]} : vector<256x256xf32> to vector<256x1xf32>
    %add3A_173 = arith.addf %add3A_171, %slice3A_172 : vector<256x1xf32>
    %slice3A_174 = vector.extract_strided_slice %mul3A {offsets = [0, 26], sizes = [256, 1], strides = [1, 1]} : vector<256x256xf32> to vector<256x1xf32>
    %add3A_175 = arith.addf %add3A_173, %slice3A_174 : vector<256x1xf32>
    %slice3A_176 = vector.extract_strided_slice %mul3A {offsets = [0, 34], sizes = [256, 1], strides = [1, 1]} : vector<256x256xf32> to vector<256x1xf32>
    %add3A_177 = arith.addf %add3A_175, %slice3A_176 : vector<256x1xf32>
    %slice3A_178 = vector.extract_strided_slice %mul3A {offsets = [0, 42], sizes = [256, 1], strides = [1, 1]} : vector<256x256xf32> to vector<256x1xf32>
    %add3A_179 = arith.addf %add3A_177, %slice3A_178 : vector<256x1xf32>
    %slice3A_180 = vector.extract_strided_slice %mul3A {offsets = [0, 50], sizes = [256, 1], strides = [1, 1]} : vector<256x256xf32> to vector<256x1xf32>
    %add3A_181 = arith.addf %add3A_179, %slice3A_180 : vector<256x1xf32>
    %slice3A_182 = vector.extract_strided_slice %mul3A {offsets = [0, 58], sizes = [256, 1], strides = [1, 1]} : vector<256x256xf32> to vector<256x1xf32>
    %add3A_183 = arith.addf %add3A_181, %slice3A_182 : vector<256x1xf32>
    %slice3A_184 = vector.extract_strided_slice %mul3A {offsets = [0, 66], sizes = [256, 1], strides = [1, 1]} : vector<256x256xf32> to vector<256x1xf32>
    %add3A_185 = arith.addf %add3A_183, %slice3A_184 : vector<256x1xf32>
    %slice3A_186 = vector.extract_strided_slice %mul3A {offsets = [0, 74], sizes = [256, 1], strides = [1, 1]} : vector<256x256xf32> to vector<256x1xf32>
    %add3A_187 = arith.addf %add3A_185, %slice3A_186 : vector<256x1xf32>
    %slice3A_188 = vector.extract_strided_slice %mul3A {offsets = [0, 82], sizes = [256, 1], strides = [1, 1]} : vector<256x256xf32> to vector<256x1xf32>
    %add3A_189 = arith.addf %add3A_187, %slice3A_188 : vector<256x1xf32>
    %slice3A_190 = vector.extract_strided_slice %mul3A {offsets = [0, 90], sizes = [256, 1], strides = [1, 1]} : vector<256x256xf32> to vector<256x1xf32>
    %add3A_191 = arith.addf %add3A_189, %slice3A_190 : vector<256x1xf32>
    %slice3A_192 = vector.extract_strided_slice %mul3A {offsets = [0, 98], sizes = [256, 1], strides = [1, 1]} : vector<256x256xf32> to vector<256x1xf32>
    %add3A_193 = arith.addf %add3A_191, %slice3A_192 : vector<256x1xf32>
    %slice3A_194 = vector.extract_strided_slice %mul3A {offsets = [0, 106], sizes = [256, 1], strides = [1, 1]} : vector<256x256xf32> to vector<256x1xf32>
    %add3A_195 = arith.addf %add3A_193, %slice3A_194 : vector<256x1xf32>
    %slice3A_196 = vector.extract_strided_slice %mul3A {offsets = [0, 114], sizes = [256, 1], strides = [1, 1]} : vector<256x256xf32> to vector<256x1xf32>
    %add3A_197 = arith.addf %add3A_195, %slice3A_196 : vector<256x1xf32>
    %slice3A_198 = vector.extract_strided_slice %mul3A {offsets = [0, 122], sizes = [256, 1], strides = [1, 1]} : vector<256x256xf32> to vector<256x1xf32>
    %add3A_199 = arith.addf %add3A_197, %slice3A_198 : vector<256x1xf32>
    %slice3A_200 = vector.extract_strided_slice %mul3A {offsets = [0, 130], sizes = [256, 1], strides = [1, 1]} : vector<256x256xf32> to vector<256x1xf32>
    %add3A_201 = arith.addf %add3A_199, %slice3A_200 : vector<256x1xf32>
    %slice3A_202 = vector.extract_strided_slice %mul3A {offsets = [0, 138], sizes = [256, 1], strides = [1, 1]} : vector<256x256xf32> to vector<256x1xf32>
    %add3A_203 = arith.addf %add3A_201, %slice3A_202 : vector<256x1xf32>
    %slice3A_204 = vector.extract_strided_slice %mul3A {offsets = [0, 146], sizes = [256, 1], strides = [1, 1]} : vector<256x256xf32> to vector<256x1xf32>
    %add3A_205 = arith.addf %add3A_203, %slice3A_204 : vector<256x1xf32>
    %slice3A_206 = vector.extract_strided_slice %mul3A {offsets = [0, 154], sizes = [256, 1], strides = [1, 1]} : vector<256x256xf32> to vector<256x1xf32>
    %add3A_207 = arith.addf %add3A_205, %slice3A_206 : vector<256x1xf32>
    %slice3A_208 = vector.extract_strided_slice %mul3A {offsets = [0, 162], sizes = [256, 1], strides = [1, 1]} : vector<256x256xf32> to vector<256x1xf32>
    %add3A_209 = arith.addf %add3A_207, %slice3A_208 : vector<256x1xf32>
    %slice3A_210 = vector.extract_strided_slice %mul3A {offsets = [0, 170], sizes = [256, 1], strides = [1, 1]} : vector<256x256xf32> to vector<256x1xf32>
    %add3A_211 = arith.addf %add3A_209, %slice3A_210 : vector<256x1xf32>
    %slice3A_212 = vector.extract_strided_slice %mul3A {offsets = [0, 178], sizes = [256, 1], strides = [1, 1]} : vector<256x256xf32> to vector<256x1xf32>
    %add3A_213 = arith.addf %add3A_211, %slice3A_212 : vector<256x1xf32>
    %slice3A_214 = vector.extract_strided_slice %mul3A {offsets = [0, 186], sizes = [256, 1], strides = [1, 1]} : vector<256x256xf32> to vector<256x1xf32>
    %add3A_215 = arith.addf %add3A_213, %slice3A_214 : vector<256x1xf32>
    %slice3A_216 = vector.extract_strided_slice %mul3A {offsets = [0, 194], sizes = [256, 1], strides = [1, 1]} : vector<256x256xf32> to vector<256x1xf32>
    %add3A_217 = arith.addf %add3A_215, %slice3A_216 : vector<256x1xf32>
    %slice3A_218 = vector.extract_strided_slice %mul3A {offsets = [0, 202], sizes = [256, 1], strides = [1, 1]} : vector<256x256xf32> to vector<256x1xf32>
    %add3A_219 = arith.addf %add3A_217, %slice3A_218 : vector<256x1xf32>
    %slice3A_220 = vector.extract_strided_slice %mul3A {offsets = [0, 210], sizes = [256, 1], strides = [1, 1]} : vector<256x256xf32> to vector<256x1xf32>
    %add3A_221 = arith.addf %add3A_219, %slice3A_220 : vector<256x1xf32>
    %slice3A_222 = vector.extract_strided_slice %mul3A {offsets = [0, 218], sizes = [256, 1], strides = [1, 1]} : vector<256x256xf32> to vector<256x1xf32>
    %add3A_223 = arith.addf %add3A_221, %slice3A_222 : vector<256x1xf32>
    %slice3A_224 = vector.extract_strided_slice %mul3A {offsets = [0, 226], sizes = [256, 1], strides = [1, 1]} : vector<256x256xf32> to vector<256x1xf32>
    %add3A_225 = arith.addf %add3A_223, %slice3A_224 : vector<256x1xf32>
    %slice3A_226 = vector.extract_strided_slice %mul3A {offsets = [0, 234], sizes = [256, 1], strides = [1, 1]} : vector<256x256xf32> to vector<256x1xf32>
    %add3A_227 = arith.addf %add3A_225, %slice3A_226 : vector<256x1xf32>
    %slice3A_228 = vector.extract_strided_slice %mul3A {offsets = [0, 242], sizes = [256, 1], strides = [1, 1]} : vector<256x256xf32> to vector<256x1xf32>
    %add3A_229 = arith.addf %add3A_227, %slice3A_228 : vector<256x1xf32>
    %slice3A_230 = vector.extract_strided_slice %mul3A {offsets = [0, 250], sizes = [256, 1], strides = [1, 1]} : vector<256x256xf32> to vector<256x1xf32>
    %add3A_231 = arith.addf %add3A_229, %slice3A_230 : vector<256x1xf32>
    %slice3A_232 = vector.extract_strided_slice %mul3A {offsets = [0, 3], sizes = [256, 1], strides = [1, 1]} : vector<256x256xf32> to vector<256x1xf32>
    %slice3A_233 = vector.extract_strided_slice %mul3A {offsets = [0, 11], sizes = [256, 1], strides = [1, 1]} : vector<256x256xf32> to vector<256x1xf32>
    %add3A_234 = arith.addf %slice3A_232, %slice3A_233 : vector<256x1xf32>
    %slice3A_235 = vector.extract_strided_slice %mul3A {offsets = [0, 19], sizes = [256, 1], strides = [1, 1]} : vector<256x256xf32> to vector<256x1xf32>
    %add3A_236 = arith.addf %add3A_234, %slice3A_235 : vector<256x1xf32>
    %slice3A_237 = vector.extract_strided_slice %mul3A {offsets = [0, 27], sizes = [256, 1], strides = [1, 1]} : vector<256x256xf32> to vector<256x1xf32>
    %add3A_238 = arith.addf %add3A_236, %slice3A_237 : vector<256x1xf32>
    %slice3A_239 = vector.extract_strided_slice %mul3A {offsets = [0, 35], sizes = [256, 1], strides = [1, 1]} : vector<256x256xf32> to vector<256x1xf32>
    %add3A_240 = arith.addf %add3A_238, %slice3A_239 : vector<256x1xf32>
    %slice3A_241 = vector.extract_strided_slice %mul3A {offsets = [0, 43], sizes = [256, 1], strides = [1, 1]} : vector<256x256xf32> to vector<256x1xf32>
    %add3A_242 = arith.addf %add3A_240, %slice3A_241 : vector<256x1xf32>
    %slice3A_243 = vector.extract_strided_slice %mul3A {offsets = [0, 51], sizes = [256, 1], strides = [1, 1]} : vector<256x256xf32> to vector<256x1xf32>
    %add3A_244 = arith.addf %add3A_242, %slice3A_243 : vector<256x1xf32>
    %slice3A_245 = vector.extract_strided_slice %mul3A {offsets = [0, 59], sizes = [256, 1], strides = [1, 1]} : vector<256x256xf32> to vector<256x1xf32>
    %add3A_246 = arith.addf %add3A_244, %slice3A_245 : vector<256x1xf32>
    %slice3A_247 = vector.extract_strided_slice %mul3A {offsets = [0, 67], sizes = [256, 1], strides = [1, 1]} : vector<256x256xf32> to vector<256x1xf32>
    %add3A_248 = arith.addf %add3A_246, %slice3A_247 : vector<256x1xf32>
    %slice3A_249 = vector.extract_strided_slice %mul3A {offsets = [0, 75], sizes = [256, 1], strides = [1, 1]} : vector<256x256xf32> to vector<256x1xf32>
    %add3A_250 = arith.addf %add3A_248, %slice3A_249 : vector<256x1xf32>
    %slice3A_251 = vector.extract_strided_slice %mul3A {offsets = [0, 83], sizes = [256, 1], strides = [1, 1]} : vector<256x256xf32> to vector<256x1xf32>
    %add3A_252 = arith.addf %add3A_250, %slice3A_251 : vector<256x1xf32>
    %slice3A_253 = vector.extract_strided_slice %mul3A {offsets = [0, 91], sizes = [256, 1], strides = [1, 1]} : vector<256x256xf32> to vector<256x1xf32>
    %add3A_254 = arith.addf %add3A_252, %slice3A_253 : vector<256x1xf32>
    %slice3A_255 = vector.extract_strided_slice %mul3A {offsets = [0, 99], sizes = [256, 1], strides = [1, 1]} : vector<256x256xf32> to vector<256x1xf32>
    %add3A_256 = arith.addf %add3A_254, %slice3A_255 : vector<256x1xf32>
    %slice3A_257 = vector.extract_strided_slice %mul3A {offsets = [0, 107], sizes = [256, 1], strides = [1, 1]} : vector<256x256xf32> to vector<256x1xf32>
    %add3A_258 = arith.addf %add3A_256, %slice3A_257 : vector<256x1xf32>
    %slice3A_259 = vector.extract_strided_slice %mul3A {offsets = [0, 115], sizes = [256, 1], strides = [1, 1]} : vector<256x256xf32> to vector<256x1xf32>
    %add3A_260 = arith.addf %add3A_258, %slice3A_259 : vector<256x1xf32>
    %slice3A_261 = vector.extract_strided_slice %mul3A {offsets = [0, 123], sizes = [256, 1], strides = [1, 1]} : vector<256x256xf32> to vector<256x1xf32>
    %add3A_262 = arith.addf %add3A_260, %slice3A_261 : vector<256x1xf32>
    %slice3A_263 = vector.extract_strided_slice %mul3A {offsets = [0, 131], sizes = [256, 1], strides = [1, 1]} : vector<256x256xf32> to vector<256x1xf32>
    %add3A_264 = arith.addf %add3A_262, %slice3A_263 : vector<256x1xf32>
    %slice3A_265 = vector.extract_strided_slice %mul3A {offsets = [0, 139], sizes = [256, 1], strides = [1, 1]} : vector<256x256xf32> to vector<256x1xf32>
    %add3A_266 = arith.addf %add3A_264, %slice3A_265 : vector<256x1xf32>
    %slice3A_267 = vector.extract_strided_slice %mul3A {offsets = [0, 147], sizes = [256, 1], strides = [1, 1]} : vector<256x256xf32> to vector<256x1xf32>
    %add3A_268 = arith.addf %add3A_266, %slice3A_267 : vector<256x1xf32>
    %slice3A_269 = vector.extract_strided_slice %mul3A {offsets = [0, 155], sizes = [256, 1], strides = [1, 1]} : vector<256x256xf32> to vector<256x1xf32>
    %add3A_270 = arith.addf %add3A_268, %slice3A_269 : vector<256x1xf32>
    %slice3A_271 = vector.extract_strided_slice %mul3A {offsets = [0, 163], sizes = [256, 1], strides = [1, 1]} : vector<256x256xf32> to vector<256x1xf32>
    %add3A_272 = arith.addf %add3A_270, %slice3A_271 : vector<256x1xf32>
    %slice3A_273 = vector.extract_strided_slice %mul3A {offsets = [0, 171], sizes = [256, 1], strides = [1, 1]} : vector<256x256xf32> to vector<256x1xf32>
    %add3A_274 = arith.addf %add3A_272, %slice3A_273 : vector<256x1xf32>
    %slice3A_275 = vector.extract_strided_slice %mul3A {offsets = [0, 179], sizes = [256, 1], strides = [1, 1]} : vector<256x256xf32> to vector<256x1xf32>
    %add3A_276 = arith.addf %add3A_274, %slice3A_275 : vector<256x1xf32>
    %slice3A_277 = vector.extract_strided_slice %mul3A {offsets = [0, 187], sizes = [256, 1], strides = [1, 1]} : vector<256x256xf32> to vector<256x1xf32>
    %add3A_278 = arith.addf %add3A_276, %slice3A_277 : vector<256x1xf32>
    %slice3A_279 = vector.extract_strided_slice %mul3A {offsets = [0, 195], sizes = [256, 1], strides = [1, 1]} : vector<256x256xf32> to vector<256x1xf32>
    %add3A_280 = arith.addf %add3A_278, %slice3A_279 : vector<256x1xf32>
    %slice3A_281 = vector.extract_strided_slice %mul3A {offsets = [0, 203], sizes = [256, 1], strides = [1, 1]} : vector<256x256xf32> to vector<256x1xf32>
    %add3A_282 = arith.addf %add3A_280, %slice3A_281 : vector<256x1xf32>
    %slice3A_283 = vector.extract_strided_slice %mul3A {offsets = [0, 211], sizes = [256, 1], strides = [1, 1]} : vector<256x256xf32> to vector<256x1xf32>
    %add3A_284 = arith.addf %add3A_282, %slice3A_283 : vector<256x1xf32>
    %slice3A_285 = vector.extract_strided_slice %mul3A {offsets = [0, 219], sizes = [256, 1], strides = [1, 1]} : vector<256x256xf32> to vector<256x1xf32>
    %add3A_286 = arith.addf %add3A_284, %slice3A_285 : vector<256x1xf32>
    %slice3A_287 = vector.extract_strided_slice %mul3A {offsets = [0, 227], sizes = [256, 1], strides = [1, 1]} : vector<256x256xf32> to vector<256x1xf32>
    %add3A_288 = arith.addf %add3A_286, %slice3A_287 : vector<256x1xf32>
    %slice3A_289 = vector.extract_strided_slice %mul3A {offsets = [0, 235], sizes = [256, 1], strides = [1, 1]} : vector<256x256xf32> to vector<256x1xf32>
    %add3A_290 = arith.addf %add3A_288, %slice3A_289 : vector<256x1xf32>
    %slice3A_291 = vector.extract_strided_slice %mul3A {offsets = [0, 243], sizes = [256, 1], strides = [1, 1]} : vector<256x256xf32> to vector<256x1xf32>
    %add3A_292 = arith.addf %add3A_290, %slice3A_291 : vector<256x1xf32>
    %slice3A_293 = vector.extract_strided_slice %mul3A {offsets = [0, 251], sizes = [256, 1], strides = [1, 1]} : vector<256x256xf32> to vector<256x1xf32>
    %add3A_294 = arith.addf %add3A_292, %slice3A_293 : vector<256x1xf32>
    %slice3A_295 = vector.extract_strided_slice %mul3A {offsets = [0, 4], sizes = [256, 1], strides = [1, 1]} : vector<256x256xf32> to vector<256x1xf32>
    %slice3A_296 = vector.extract_strided_slice %mul3A {offsets = [0, 12], sizes = [256, 1], strides = [1, 1]} : vector<256x256xf32> to vector<256x1xf32>
    %add3A_297 = arith.addf %slice3A_295, %slice3A_296 : vector<256x1xf32>
    %slice3A_298 = vector.extract_strided_slice %mul3A {offsets = [0, 20], sizes = [256, 1], strides = [1, 1]} : vector<256x256xf32> to vector<256x1xf32>
    %add3A_299 = arith.addf %add3A_297, %slice3A_298 : vector<256x1xf32>
    %slice3A_300 = vector.extract_strided_slice %mul3A {offsets = [0, 28], sizes = [256, 1], strides = [1, 1]} : vector<256x256xf32> to vector<256x1xf32>
    %add3A_301 = arith.addf %add3A_299, %slice3A_300 : vector<256x1xf32>
    %slice3A_302 = vector.extract_strided_slice %mul3A {offsets = [0, 36], sizes = [256, 1], strides = [1, 1]} : vector<256x256xf32> to vector<256x1xf32>
    %add3A_303 = arith.addf %add3A_301, %slice3A_302 : vector<256x1xf32>
    %slice3A_304 = vector.extract_strided_slice %mul3A {offsets = [0, 44], sizes = [256, 1], strides = [1, 1]} : vector<256x256xf32> to vector<256x1xf32>
    %add3A_305 = arith.addf %add3A_303, %slice3A_304 : vector<256x1xf32>
    %slice3A_306 = vector.extract_strided_slice %mul3A {offsets = [0, 52], sizes = [256, 1], strides = [1, 1]} : vector<256x256xf32> to vector<256x1xf32>
    %add3A_307 = arith.addf %add3A_305, %slice3A_306 : vector<256x1xf32>
    %slice3A_308 = vector.extract_strided_slice %mul3A {offsets = [0, 60], sizes = [256, 1], strides = [1, 1]} : vector<256x256xf32> to vector<256x1xf32>
    %add3A_309 = arith.addf %add3A_307, %slice3A_308 : vector<256x1xf32>
    %slice3A_310 = vector.extract_strided_slice %mul3A {offsets = [0, 68], sizes = [256, 1], strides = [1, 1]} : vector<256x256xf32> to vector<256x1xf32>
    %add3A_311 = arith.addf %add3A_309, %slice3A_310 : vector<256x1xf32>
    %slice3A_312 = vector.extract_strided_slice %mul3A {offsets = [0, 76], sizes = [256, 1], strides = [1, 1]} : vector<256x256xf32> to vector<256x1xf32>
    %add3A_313 = arith.addf %add3A_311, %slice3A_312 : vector<256x1xf32>
    %slice3A_314 = vector.extract_strided_slice %mul3A {offsets = [0, 84], sizes = [256, 1], strides = [1, 1]} : vector<256x256xf32> to vector<256x1xf32>
    %add3A_315 = arith.addf %add3A_313, %slice3A_314 : vector<256x1xf32>
    %slice3A_316 = vector.extract_strided_slice %mul3A {offsets = [0, 92], sizes = [256, 1], strides = [1, 1]} : vector<256x256xf32> to vector<256x1xf32>
    %add3A_317 = arith.addf %add3A_315, %slice3A_316 : vector<256x1xf32>
    %slice3A_318 = vector.extract_strided_slice %mul3A {offsets = [0, 100], sizes = [256, 1], strides = [1, 1]} : vector<256x256xf32> to vector<256x1xf32>
    %add3A_319 = arith.addf %add3A_317, %slice3A_318 : vector<256x1xf32>
    %slice3A_320 = vector.extract_strided_slice %mul3A {offsets = [0, 108], sizes = [256, 1], strides = [1, 1]} : vector<256x256xf32> to vector<256x1xf32>
    %add3A_321 = arith.addf %add3A_319, %slice3A_320 : vector<256x1xf32>
    %slice3A_322 = vector.extract_strided_slice %mul3A {offsets = [0, 116], sizes = [256, 1], strides = [1, 1]} : vector<256x256xf32> to vector<256x1xf32>
    %add3A_323 = arith.addf %add3A_321, %slice3A_322 : vector<256x1xf32>
    %slice3A_324 = vector.extract_strided_slice %mul3A {offsets = [0, 124], sizes = [256, 1], strides = [1, 1]} : vector<256x256xf32> to vector<256x1xf32>
    %add3A_325 = arith.addf %add3A_323, %slice3A_324 : vector<256x1xf32>
    %slice3A_326 = vector.extract_strided_slice %mul3A {offsets = [0, 132], sizes = [256, 1], strides = [1, 1]} : vector<256x256xf32> to vector<256x1xf32>
    %add3A_327 = arith.addf %add3A_325, %slice3A_326 : vector<256x1xf32>
    %slice3A_328 = vector.extract_strided_slice %mul3A {offsets = [0, 140], sizes = [256, 1], strides = [1, 1]} : vector<256x256xf32> to vector<256x1xf32>
    %add3A_329 = arith.addf %add3A_327, %slice3A_328 : vector<256x1xf32>
    %slice3A_330 = vector.extract_strided_slice %mul3A {offsets = [0, 148], sizes = [256, 1], strides = [1, 1]} : vector<256x256xf32> to vector<256x1xf32>
    %add3A_331 = arith.addf %add3A_329, %slice3A_330 : vector<256x1xf32>
    %slice3A_332 = vector.extract_strided_slice %mul3A {offsets = [0, 156], sizes = [256, 1], strides = [1, 1]} : vector<256x256xf32> to vector<256x1xf32>
    %add3A_333 = arith.addf %add3A_331, %slice3A_332 : vector<256x1xf32>
    %slice3A_334 = vector.extract_strided_slice %mul3A {offsets = [0, 164], sizes = [256, 1], strides = [1, 1]} : vector<256x256xf32> to vector<256x1xf32>
    %add3A_335 = arith.addf %add3A_333, %slice3A_334 : vector<256x1xf32>
    %slice3A_336 = vector.extract_strided_slice %mul3A {offsets = [0, 172], sizes = [256, 1], strides = [1, 1]} : vector<256x256xf32> to vector<256x1xf32>
    %add3A_337 = arith.addf %add3A_335, %slice3A_336 : vector<256x1xf32>
    %slice3A_338 = vector.extract_strided_slice %mul3A {offsets = [0, 180], sizes = [256, 1], strides = [1, 1]} : vector<256x256xf32> to vector<256x1xf32>
    %add3A_339 = arith.addf %add3A_337, %slice3A_338 : vector<256x1xf32>
    %slice3A_340 = vector.extract_strided_slice %mul3A {offsets = [0, 188], sizes = [256, 1], strides = [1, 1]} : vector<256x256xf32> to vector<256x1xf32>
    %add3A_341 = arith.addf %add3A_339, %slice3A_340 : vector<256x1xf32>
    %slice3A_342 = vector.extract_strided_slice %mul3A {offsets = [0, 196], sizes = [256, 1], strides = [1, 1]} : vector<256x256xf32> to vector<256x1xf32>
    %add3A_343 = arith.addf %add3A_341, %slice3A_342 : vector<256x1xf32>
    %slice3A_344 = vector.extract_strided_slice %mul3A {offsets = [0, 204], sizes = [256, 1], strides = [1, 1]} : vector<256x256xf32> to vector<256x1xf32>
    %add3A_345 = arith.addf %add3A_343, %slice3A_344 : vector<256x1xf32>
    %slice3A_346 = vector.extract_strided_slice %mul3A {offsets = [0, 212], sizes = [256, 1], strides = [1, 1]} : vector<256x256xf32> to vector<256x1xf32>
    %add3A_347 = arith.addf %add3A_345, %slice3A_346 : vector<256x1xf32>
    %slice3A_348 = vector.extract_strided_slice %mul3A {offsets = [0, 220], sizes = [256, 1], strides = [1, 1]} : vector<256x256xf32> to vector<256x1xf32>
    %add3A_349 = arith.addf %add3A_347, %slice3A_348 : vector<256x1xf32>
    %slice3A_350 = vector.extract_strided_slice %mul3A {offsets = [0, 228], sizes = [256, 1], strides = [1, 1]} : vector<256x256xf32> to vector<256x1xf32>
    %add3A_351 = arith.addf %add3A_349, %slice3A_350 : vector<256x1xf32>
    %slice3A_352 = vector.extract_strided_slice %mul3A {offsets = [0, 236], sizes = [256, 1], strides = [1, 1]} : vector<256x256xf32> to vector<256x1xf32>
    %add3A_353 = arith.addf %add3A_351, %slice3A_352 : vector<256x1xf32>
    %slice3A_354 = vector.extract_strided_slice %mul3A {offsets = [0, 244], sizes = [256, 1], strides = [1, 1]} : vector<256x256xf32> to vector<256x1xf32>
    %add3A_355 = arith.addf %add3A_353, %slice3A_354 : vector<256x1xf32>
    %slice3A_356 = vector.extract_strided_slice %mul3A {offsets = [0, 252], sizes = [256, 1], strides = [1, 1]} : vector<256x256xf32> to vector<256x1xf32>
    %add3A_357 = arith.addf %add3A_355, %slice3A_356 : vector<256x1xf32>
    %slice3A_358 = vector.extract_strided_slice %mul3A {offsets = [0, 5], sizes = [256, 1], strides = [1, 1]} : vector<256x256xf32> to vector<256x1xf32>
    %slice3A_359 = vector.extract_strided_slice %mul3A {offsets = [0, 13], sizes = [256, 1], strides = [1, 1]} : vector<256x256xf32> to vector<256x1xf32>
    %add3A_360 = arith.addf %slice3A_358, %slice3A_359 : vector<256x1xf32>
    %slice3A_361 = vector.extract_strided_slice %mul3A {offsets = [0, 21], sizes = [256, 1], strides = [1, 1]} : vector<256x256xf32> to vector<256x1xf32>
    %add3A_362 = arith.addf %add3A_360, %slice3A_361 : vector<256x1xf32>
    %slice3A_363 = vector.extract_strided_slice %mul3A {offsets = [0, 29], sizes = [256, 1], strides = [1, 1]} : vector<256x256xf32> to vector<256x1xf32>
    %add3A_364 = arith.addf %add3A_362, %slice3A_363 : vector<256x1xf32>
    %slice3A_365 = vector.extract_strided_slice %mul3A {offsets = [0, 37], sizes = [256, 1], strides = [1, 1]} : vector<256x256xf32> to vector<256x1xf32>
    %add3A_366 = arith.addf %add3A_364, %slice3A_365 : vector<256x1xf32>
    %slice3A_367 = vector.extract_strided_slice %mul3A {offsets = [0, 45], sizes = [256, 1], strides = [1, 1]} : vector<256x256xf32> to vector<256x1xf32>
    %add3A_368 = arith.addf %add3A_366, %slice3A_367 : vector<256x1xf32>
    %slice3A_369 = vector.extract_strided_slice %mul3A {offsets = [0, 53], sizes = [256, 1], strides = [1, 1]} : vector<256x256xf32> to vector<256x1xf32>
    %add3A_370 = arith.addf %add3A_368, %slice3A_369 : vector<256x1xf32>
    %slice3A_371 = vector.extract_strided_slice %mul3A {offsets = [0, 61], sizes = [256, 1], strides = [1, 1]} : vector<256x256xf32> to vector<256x1xf32>
    %add3A_372 = arith.addf %add3A_370, %slice3A_371 : vector<256x1xf32>
    %slice3A_373 = vector.extract_strided_slice %mul3A {offsets = [0, 69], sizes = [256, 1], strides = [1, 1]} : vector<256x256xf32> to vector<256x1xf32>
    %add3A_374 = arith.addf %add3A_372, %slice3A_373 : vector<256x1xf32>
    %slice3A_375 = vector.extract_strided_slice %mul3A {offsets = [0, 77], sizes = [256, 1], strides = [1, 1]} : vector<256x256xf32> to vector<256x1xf32>
    %add3A_376 = arith.addf %add3A_374, %slice3A_375 : vector<256x1xf32>
    %slice3A_377 = vector.extract_strided_slice %mul3A {offsets = [0, 85], sizes = [256, 1], strides = [1, 1]} : vector<256x256xf32> to vector<256x1xf32>
    %add3A_378 = arith.addf %add3A_376, %slice3A_377 : vector<256x1xf32>
    %slice3A_379 = vector.extract_strided_slice %mul3A {offsets = [0, 93], sizes = [256, 1], strides = [1, 1]} : vector<256x256xf32> to vector<256x1xf32>
    %add3A_380 = arith.addf %add3A_378, %slice3A_379 : vector<256x1xf32>
    %slice3A_381 = vector.extract_strided_slice %mul3A {offsets = [0, 101], sizes = [256, 1], strides = [1, 1]} : vector<256x256xf32> to vector<256x1xf32>
    %add3A_382 = arith.addf %add3A_380, %slice3A_381 : vector<256x1xf32>
    %slice3A_383 = vector.extract_strided_slice %mul3A {offsets = [0, 109], sizes = [256, 1], strides = [1, 1]} : vector<256x256xf32> to vector<256x1xf32>
    %add3A_384 = arith.addf %add3A_382, %slice3A_383 : vector<256x1xf32>
    %slice3A_385 = vector.extract_strided_slice %mul3A {offsets = [0, 117], sizes = [256, 1], strides = [1, 1]} : vector<256x256xf32> to vector<256x1xf32>
    %add3A_386 = arith.addf %add3A_384, %slice3A_385 : vector<256x1xf32>
    %slice3A_387 = vector.extract_strided_slice %mul3A {offsets = [0, 125], sizes = [256, 1], strides = [1, 1]} : vector<256x256xf32> to vector<256x1xf32>
    %add3A_388 = arith.addf %add3A_386, %slice3A_387 : vector<256x1xf32>
    %slice3A_389 = vector.extract_strided_slice %mul3A {offsets = [0, 133], sizes = [256, 1], strides = [1, 1]} : vector<256x256xf32> to vector<256x1xf32>
    %add3A_390 = arith.addf %add3A_388, %slice3A_389 : vector<256x1xf32>
    %slice3A_391 = vector.extract_strided_slice %mul3A {offsets = [0, 141], sizes = [256, 1], strides = [1, 1]} : vector<256x256xf32> to vector<256x1xf32>
    %add3A_392 = arith.addf %add3A_390, %slice3A_391 : vector<256x1xf32>
    %slice3A_393 = vector.extract_strided_slice %mul3A {offsets = [0, 149], sizes = [256, 1], strides = [1, 1]} : vector<256x256xf32> to vector<256x1xf32>
    %add3A_394 = arith.addf %add3A_392, %slice3A_393 : vector<256x1xf32>
    %slice3A_395 = vector.extract_strided_slice %mul3A {offsets = [0, 157], sizes = [256, 1], strides = [1, 1]} : vector<256x256xf32> to vector<256x1xf32>
    %add3A_396 = arith.addf %add3A_394, %slice3A_395 : vector<256x1xf32>
    %slice3A_397 = vector.extract_strided_slice %mul3A {offsets = [0, 165], sizes = [256, 1], strides = [1, 1]} : vector<256x256xf32> to vector<256x1xf32>
    %add3A_398 = arith.addf %add3A_396, %slice3A_397 : vector<256x1xf32>
    %slice3A_399 = vector.extract_strided_slice %mul3A {offsets = [0, 173], sizes = [256, 1], strides = [1, 1]} : vector<256x256xf32> to vector<256x1xf32>
    %add3A_400 = arith.addf %add3A_398, %slice3A_399 : vector<256x1xf32>
    %slice3A_401 = vector.extract_strided_slice %mul3A {offsets = [0, 181], sizes = [256, 1], strides = [1, 1]} : vector<256x256xf32> to vector<256x1xf32>
    %add3A_402 = arith.addf %add3A_400, %slice3A_401 : vector<256x1xf32>
    %slice3A_403 = vector.extract_strided_slice %mul3A {offsets = [0, 189], sizes = [256, 1], strides = [1, 1]} : vector<256x256xf32> to vector<256x1xf32>
    %add3A_404 = arith.addf %add3A_402, %slice3A_403 : vector<256x1xf32>
    %slice3A_405 = vector.extract_strided_slice %mul3A {offsets = [0, 197], sizes = [256, 1], strides = [1, 1]} : vector<256x256xf32> to vector<256x1xf32>
    %add3A_406 = arith.addf %add3A_404, %slice3A_405 : vector<256x1xf32>
    %slice3A_407 = vector.extract_strided_slice %mul3A {offsets = [0, 205], sizes = [256, 1], strides = [1, 1]} : vector<256x256xf32> to vector<256x1xf32>
    %add3A_408 = arith.addf %add3A_406, %slice3A_407 : vector<256x1xf32>
    %slice3A_409 = vector.extract_strided_slice %mul3A {offsets = [0, 213], sizes = [256, 1], strides = [1, 1]} : vector<256x256xf32> to vector<256x1xf32>
    %add3A_410 = arith.addf %add3A_408, %slice3A_409 : vector<256x1xf32>
    %slice3A_411 = vector.extract_strided_slice %mul3A {offsets = [0, 221], sizes = [256, 1], strides = [1, 1]} : vector<256x256xf32> to vector<256x1xf32>
    %add3A_412 = arith.addf %add3A_410, %slice3A_411 : vector<256x1xf32>
    %slice3A_413 = vector.extract_strided_slice %mul3A {offsets = [0, 229], sizes = [256, 1], strides = [1, 1]} : vector<256x256xf32> to vector<256x1xf32>
    %add3A_414 = arith.addf %add3A_412, %slice3A_413 : vector<256x1xf32>
    %slice3A_415 = vector.extract_strided_slice %mul3A {offsets = [0, 237], sizes = [256, 1], strides = [1, 1]} : vector<256x256xf32> to vector<256x1xf32>
    %add3A_416 = arith.addf %add3A_414, %slice3A_415 : vector<256x1xf32>
    %slice3A_417 = vector.extract_strided_slice %mul3A {offsets = [0, 245], sizes = [256, 1], strides = [1, 1]} : vector<256x256xf32> to vector<256x1xf32>
    %add3A_418 = arith.addf %add3A_416, %slice3A_417 : vector<256x1xf32>
    %slice3A_419 = vector.extract_strided_slice %mul3A {offsets = [0, 253], sizes = [256, 1], strides = [1, 1]} : vector<256x256xf32> to vector<256x1xf32>
    %add3A_420 = arith.addf %add3A_418, %slice3A_419 : vector<256x1xf32>
    %slice3A_421 = vector.extract_strided_slice %mul3A {offsets = [0, 6], sizes = [256, 1], strides = [1, 1]} : vector<256x256xf32> to vector<256x1xf32>
    %slice3A_422 = vector.extract_strided_slice %mul3A {offsets = [0, 14], sizes = [256, 1], strides = [1, 1]} : vector<256x256xf32> to vector<256x1xf32>
    %add3A_423 = arith.addf %slice3A_421, %slice3A_422 : vector<256x1xf32>
    %slice3A_424 = vector.extract_strided_slice %mul3A {offsets = [0, 22], sizes = [256, 1], strides = [1, 1]} : vector<256x256xf32> to vector<256x1xf32>
    %add3A_425 = arith.addf %add3A_423, %slice3A_424 : vector<256x1xf32>
    %slice3A_426 = vector.extract_strided_slice %mul3A {offsets = [0, 30], sizes = [256, 1], strides = [1, 1]} : vector<256x256xf32> to vector<256x1xf32>
    %add3A_427 = arith.addf %add3A_425, %slice3A_426 : vector<256x1xf32>
    %slice3A_428 = vector.extract_strided_slice %mul3A {offsets = [0, 38], sizes = [256, 1], strides = [1, 1]} : vector<256x256xf32> to vector<256x1xf32>
    %add3A_429 = arith.addf %add3A_427, %slice3A_428 : vector<256x1xf32>
    %slice3A_430 = vector.extract_strided_slice %mul3A {offsets = [0, 46], sizes = [256, 1], strides = [1, 1]} : vector<256x256xf32> to vector<256x1xf32>
    %add3A_431 = arith.addf %add3A_429, %slice3A_430 : vector<256x1xf32>
    %slice3A_432 = vector.extract_strided_slice %mul3A {offsets = [0, 54], sizes = [256, 1], strides = [1, 1]} : vector<256x256xf32> to vector<256x1xf32>
    %add3A_433 = arith.addf %add3A_431, %slice3A_432 : vector<256x1xf32>
    %slice3A_434 = vector.extract_strided_slice %mul3A {offsets = [0, 62], sizes = [256, 1], strides = [1, 1]} : vector<256x256xf32> to vector<256x1xf32>
    %add3A_435 = arith.addf %add3A_433, %slice3A_434 : vector<256x1xf32>
    %slice3A_436 = vector.extract_strided_slice %mul3A {offsets = [0, 70], sizes = [256, 1], strides = [1, 1]} : vector<256x256xf32> to vector<256x1xf32>
    %add3A_437 = arith.addf %add3A_435, %slice3A_436 : vector<256x1xf32>
    %slice3A_438 = vector.extract_strided_slice %mul3A {offsets = [0, 78], sizes = [256, 1], strides = [1, 1]} : vector<256x256xf32> to vector<256x1xf32>
    %add3A_439 = arith.addf %add3A_437, %slice3A_438 : vector<256x1xf32>
    %slice3A_440 = vector.extract_strided_slice %mul3A {offsets = [0, 86], sizes = [256, 1], strides = [1, 1]} : vector<256x256xf32> to vector<256x1xf32>
    %add3A_441 = arith.addf %add3A_439, %slice3A_440 : vector<256x1xf32>
    %slice3A_442 = vector.extract_strided_slice %mul3A {offsets = [0, 94], sizes = [256, 1], strides = [1, 1]} : vector<256x256xf32> to vector<256x1xf32>
    %add3A_443 = arith.addf %add3A_441, %slice3A_442 : vector<256x1xf32>
    %slice3A_444 = vector.extract_strided_slice %mul3A {offsets = [0, 102], sizes = [256, 1], strides = [1, 1]} : vector<256x256xf32> to vector<256x1xf32>
    %add3A_445 = arith.addf %add3A_443, %slice3A_444 : vector<256x1xf32>
    %slice3A_446 = vector.extract_strided_slice %mul3A {offsets = [0, 110], sizes = [256, 1], strides = [1, 1]} : vector<256x256xf32> to vector<256x1xf32>
    %add3A_447 = arith.addf %add3A_445, %slice3A_446 : vector<256x1xf32>
    %slice3A_448 = vector.extract_strided_slice %mul3A {offsets = [0, 118], sizes = [256, 1], strides = [1, 1]} : vector<256x256xf32> to vector<256x1xf32>
    %add3A_449 = arith.addf %add3A_447, %slice3A_448 : vector<256x1xf32>
    %slice3A_450 = vector.extract_strided_slice %mul3A {offsets = [0, 126], sizes = [256, 1], strides = [1, 1]} : vector<256x256xf32> to vector<256x1xf32>
    %add3A_451 = arith.addf %add3A_449, %slice3A_450 : vector<256x1xf32>
    %slice3A_452 = vector.extract_strided_slice %mul3A {offsets = [0, 134], sizes = [256, 1], strides = [1, 1]} : vector<256x256xf32> to vector<256x1xf32>
    %add3A_453 = arith.addf %add3A_451, %slice3A_452 : vector<256x1xf32>
    %slice3A_454 = vector.extract_strided_slice %mul3A {offsets = [0, 142], sizes = [256, 1], strides = [1, 1]} : vector<256x256xf32> to vector<256x1xf32>
    %add3A_455 = arith.addf %add3A_453, %slice3A_454 : vector<256x1xf32>
    %slice3A_456 = vector.extract_strided_slice %mul3A {offsets = [0, 150], sizes = [256, 1], strides = [1, 1]} : vector<256x256xf32> to vector<256x1xf32>
    %add3A_457 = arith.addf %add3A_455, %slice3A_456 : vector<256x1xf32>
    %slice3A_458 = vector.extract_strided_slice %mul3A {offsets = [0, 158], sizes = [256, 1], strides = [1, 1]} : vector<256x256xf32> to vector<256x1xf32>
    %add3A_459 = arith.addf %add3A_457, %slice3A_458 : vector<256x1xf32>
    %slice3A_460 = vector.extract_strided_slice %mul3A {offsets = [0, 166], sizes = [256, 1], strides = [1, 1]} : vector<256x256xf32> to vector<256x1xf32>
    %add3A_461 = arith.addf %add3A_459, %slice3A_460 : vector<256x1xf32>
    %slice3A_462 = vector.extract_strided_slice %mul3A {offsets = [0, 174], sizes = [256, 1], strides = [1, 1]} : vector<256x256xf32> to vector<256x1xf32>
    %add3A_463 = arith.addf %add3A_461, %slice3A_462 : vector<256x1xf32>
    %slice3A_464 = vector.extract_strided_slice %mul3A {offsets = [0, 182], sizes = [256, 1], strides = [1, 1]} : vector<256x256xf32> to vector<256x1xf32>
    %add3A_465 = arith.addf %add3A_463, %slice3A_464 : vector<256x1xf32>
    %slice3A_466 = vector.extract_strided_slice %mul3A {offsets = [0, 190], sizes = [256, 1], strides = [1, 1]} : vector<256x256xf32> to vector<256x1xf32>
    %add3A_467 = arith.addf %add3A_465, %slice3A_466 : vector<256x1xf32>
    %slice3A_468 = vector.extract_strided_slice %mul3A {offsets = [0, 198], sizes = [256, 1], strides = [1, 1]} : vector<256x256xf32> to vector<256x1xf32>
    %add3A_469 = arith.addf %add3A_467, %slice3A_468 : vector<256x1xf32>
    %slice3A_470 = vector.extract_strided_slice %mul3A {offsets = [0, 206], sizes = [256, 1], strides = [1, 1]} : vector<256x256xf32> to vector<256x1xf32>
    %add3A_471 = arith.addf %add3A_469, %slice3A_470 : vector<256x1xf32>
    %slice3A_472 = vector.extract_strided_slice %mul3A {offsets = [0, 214], sizes = [256, 1], strides = [1, 1]} : vector<256x256xf32> to vector<256x1xf32>
    %add3A_473 = arith.addf %add3A_471, %slice3A_472 : vector<256x1xf32>
    %slice3A_474 = vector.extract_strided_slice %mul3A {offsets = [0, 222], sizes = [256, 1], strides = [1, 1]} : vector<256x256xf32> to vector<256x1xf32>
    %add3A_475 = arith.addf %add3A_473, %slice3A_474 : vector<256x1xf32>
    %slice3A_476 = vector.extract_strided_slice %mul3A {offsets = [0, 230], sizes = [256, 1], strides = [1, 1]} : vector<256x256xf32> to vector<256x1xf32>
    %add3A_477 = arith.addf %add3A_475, %slice3A_476 : vector<256x1xf32>
    %slice3A_478 = vector.extract_strided_slice %mul3A {offsets = [0, 238], sizes = [256, 1], strides = [1, 1]} : vector<256x256xf32> to vector<256x1xf32>
    %add3A_479 = arith.addf %add3A_477, %slice3A_478 : vector<256x1xf32>
    %slice3A_480 = vector.extract_strided_slice %mul3A {offsets = [0, 246], sizes = [256, 1], strides = [1, 1]} : vector<256x256xf32> to vector<256x1xf32>
    %add3A_481 = arith.addf %add3A_479, %slice3A_480 : vector<256x1xf32>
    %slice3A_482 = vector.extract_strided_slice %mul3A {offsets = [0, 254], sizes = [256, 1], strides = [1, 1]} : vector<256x256xf32> to vector<256x1xf32>
    %add3A_483 = arith.addf %add3A_481, %slice3A_482 : vector<256x1xf32>
    %slice3A_484 = vector.extract_strided_slice %mul3A {offsets = [0, 7], sizes = [256, 1], strides = [1, 1]} : vector<256x256xf32> to vector<256x1xf32>
    %slice3A_485 = vector.extract_strided_slice %mul3A {offsets = [0, 15], sizes = [256, 1], strides = [1, 1]} : vector<256x256xf32> to vector<256x1xf32>
    %add3A_486 = arith.addf %slice3A_484, %slice3A_485 : vector<256x1xf32>
    %slice3A_487 = vector.extract_strided_slice %mul3A {offsets = [0, 23], sizes = [256, 1], strides = [1, 1]} : vector<256x256xf32> to vector<256x1xf32>
    %add3A_488 = arith.addf %add3A_486, %slice3A_487 : vector<256x1xf32>
    %slice3A_489 = vector.extract_strided_slice %mul3A {offsets = [0, 31], sizes = [256, 1], strides = [1, 1]} : vector<256x256xf32> to vector<256x1xf32>
    %add3A_490 = arith.addf %add3A_488, %slice3A_489 : vector<256x1xf32>
    %slice3A_491 = vector.extract_strided_slice %mul3A {offsets = [0, 39], sizes = [256, 1], strides = [1, 1]} : vector<256x256xf32> to vector<256x1xf32>
    %add3A_492 = arith.addf %add3A_490, %slice3A_491 : vector<256x1xf32>
    %slice3A_493 = vector.extract_strided_slice %mul3A {offsets = [0, 47], sizes = [256, 1], strides = [1, 1]} : vector<256x256xf32> to vector<256x1xf32>
    %add3A_494 = arith.addf %add3A_492, %slice3A_493 : vector<256x1xf32>
    %slice3A_495 = vector.extract_strided_slice %mul3A {offsets = [0, 55], sizes = [256, 1], strides = [1, 1]} : vector<256x256xf32> to vector<256x1xf32>
    %add3A_496 = arith.addf %add3A_494, %slice3A_495 : vector<256x1xf32>
    %slice3A_497 = vector.extract_strided_slice %mul3A {offsets = [0, 63], sizes = [256, 1], strides = [1, 1]} : vector<256x256xf32> to vector<256x1xf32>
    %add3A_498 = arith.addf %add3A_496, %slice3A_497 : vector<256x1xf32>
    %slice3A_499 = vector.extract_strided_slice %mul3A {offsets = [0, 71], sizes = [256, 1], strides = [1, 1]} : vector<256x256xf32> to vector<256x1xf32>
    %add3A_500 = arith.addf %add3A_498, %slice3A_499 : vector<256x1xf32>
    %slice3A_501 = vector.extract_strided_slice %mul3A {offsets = [0, 79], sizes = [256, 1], strides = [1, 1]} : vector<256x256xf32> to vector<256x1xf32>
    %add3A_502 = arith.addf %add3A_500, %slice3A_501 : vector<256x1xf32>
    %slice3A_503 = vector.extract_strided_slice %mul3A {offsets = [0, 87], sizes = [256, 1], strides = [1, 1]} : vector<256x256xf32> to vector<256x1xf32>
    %add3A_504 = arith.addf %add3A_502, %slice3A_503 : vector<256x1xf32>
    %slice3A_505 = vector.extract_strided_slice %mul3A {offsets = [0, 95], sizes = [256, 1], strides = [1, 1]} : vector<256x256xf32> to vector<256x1xf32>
    %add3A_506 = arith.addf %add3A_504, %slice3A_505 : vector<256x1xf32>
    %slice3A_507 = vector.extract_strided_slice %mul3A {offsets = [0, 103], sizes = [256, 1], strides = [1, 1]} : vector<256x256xf32> to vector<256x1xf32>
    %add3A_508 = arith.addf %add3A_506, %slice3A_507 : vector<256x1xf32>
    %slice3A_509 = vector.extract_strided_slice %mul3A {offsets = [0, 111], sizes = [256, 1], strides = [1, 1]} : vector<256x256xf32> to vector<256x1xf32>
    %add3A_510 = arith.addf %add3A_508, %slice3A_509 : vector<256x1xf32>
    %slice3A_511 = vector.extract_strided_slice %mul3A {offsets = [0, 119], sizes = [256, 1], strides = [1, 1]} : vector<256x256xf32> to vector<256x1xf32>
    %add3A_512 = arith.addf %add3A_510, %slice3A_511 : vector<256x1xf32>
    %slice3A_513 = vector.extract_strided_slice %mul3A {offsets = [0, 127], sizes = [256, 1], strides = [1, 1]} : vector<256x256xf32> to vector<256x1xf32>
    %add3A_514 = arith.addf %add3A_512, %slice3A_513 : vector<256x1xf32>
    %slice3A_515 = vector.extract_strided_slice %mul3A {offsets = [0, 135], sizes = [256, 1], strides = [1, 1]} : vector<256x256xf32> to vector<256x1xf32>
    %add3A_516 = arith.addf %add3A_514, %slice3A_515 : vector<256x1xf32>
    %slice3A_517 = vector.extract_strided_slice %mul3A {offsets = [0, 143], sizes = [256, 1], strides = [1, 1]} : vector<256x256xf32> to vector<256x1xf32>
    %add3A_518 = arith.addf %add3A_516, %slice3A_517 : vector<256x1xf32>
    %slice3A_519 = vector.extract_strided_slice %mul3A {offsets = [0, 151], sizes = [256, 1], strides = [1, 1]} : vector<256x256xf32> to vector<256x1xf32>
    %add3A_520 = arith.addf %add3A_518, %slice3A_519 : vector<256x1xf32>
    %slice3A_521 = vector.extract_strided_slice %mul3A {offsets = [0, 159], sizes = [256, 1], strides = [1, 1]} : vector<256x256xf32> to vector<256x1xf32>
    %add3A_522 = arith.addf %add3A_520, %slice3A_521 : vector<256x1xf32>
    %slice3A_523 = vector.extract_strided_slice %mul3A {offsets = [0, 167], sizes = [256, 1], strides = [1, 1]} : vector<256x256xf32> to vector<256x1xf32>
    %add3A_524 = arith.addf %add3A_522, %slice3A_523 : vector<256x1xf32>
    %slice3A_525 = vector.extract_strided_slice %mul3A {offsets = [0, 175], sizes = [256, 1], strides = [1, 1]} : vector<256x256xf32> to vector<256x1xf32>
    %add3A_526 = arith.addf %add3A_524, %slice3A_525 : vector<256x1xf32>
    %slice3A_527 = vector.extract_strided_slice %mul3A {offsets = [0, 183], sizes = [256, 1], strides = [1, 1]} : vector<256x256xf32> to vector<256x1xf32>
    %add3A_528 = arith.addf %add3A_526, %slice3A_527 : vector<256x1xf32>
    %slice3A_529 = vector.extract_strided_slice %mul3A {offsets = [0, 191], sizes = [256, 1], strides = [1, 1]} : vector<256x256xf32> to vector<256x1xf32>
    %add3A_530 = arith.addf %add3A_528, %slice3A_529 : vector<256x1xf32>
    %slice3A_531 = vector.extract_strided_slice %mul3A {offsets = [0, 199], sizes = [256, 1], strides = [1, 1]} : vector<256x256xf32> to vector<256x1xf32>
    %add3A_532 = arith.addf %add3A_530, %slice3A_531 : vector<256x1xf32>
    %slice3A_533 = vector.extract_strided_slice %mul3A {offsets = [0, 207], sizes = [256, 1], strides = [1, 1]} : vector<256x256xf32> to vector<256x1xf32>
    %add3A_534 = arith.addf %add3A_532, %slice3A_533 : vector<256x1xf32>
    %slice3A_535 = vector.extract_strided_slice %mul3A {offsets = [0, 215], sizes = [256, 1], strides = [1, 1]} : vector<256x256xf32> to vector<256x1xf32>
    %add3A_536 = arith.addf %add3A_534, %slice3A_535 : vector<256x1xf32>
    %slice3A_537 = vector.extract_strided_slice %mul3A {offsets = [0, 223], sizes = [256, 1], strides = [1, 1]} : vector<256x256xf32> to vector<256x1xf32>
    %add3A_538 = arith.addf %add3A_536, %slice3A_537 : vector<256x1xf32>
    %slice3A_539 = vector.extract_strided_slice %mul3A {offsets = [0, 231], sizes = [256, 1], strides = [1, 1]} : vector<256x256xf32> to vector<256x1xf32>
    %add3A_540 = arith.addf %add3A_538, %slice3A_539 : vector<256x1xf32>
    %slice3A_541 = vector.extract_strided_slice %mul3A {offsets = [0, 239], sizes = [256, 1], strides = [1, 1]} : vector<256x256xf32> to vector<256x1xf32>
    %add3A_542 = arith.addf %add3A_540, %slice3A_541 : vector<256x1xf32>
    %slice3A_543 = vector.extract_strided_slice %mul3A {offsets = [0, 247], sizes = [256, 1], strides = [1, 1]} : vector<256x256xf32> to vector<256x1xf32>
    %add3A_544 = arith.addf %add3A_542, %slice3A_543 : vector<256x1xf32>
    %slice3A_545 = vector.extract_strided_slice %mul3A {offsets = [0, 255], sizes = [256, 1], strides = [1, 1]} : vector<256x256xf32> to vector<256x1xf32>
    %add3A_546 = arith.addf %add3A_544, %slice3A_545 : vector<256x1xf32>
    %add3A_547 = arith.addf %add3A_105, %add3A_357 : vector<256x1xf32>
    %add3A_548 = arith.addf %add3A_168, %add3A_420 : vector<256x1xf32>
    %add3A_549 = arith.addf %add3A_231, %add3A_483 : vector<256x1xf32>
    %add3A_550 = arith.addf %add3A_294, %add3A_546 : vector<256x1xf32>
    %add3A_551 = arith.addf %add3A_547, %add3A_549 : vector<256x1xf32>
    %add3A_552 = arith.addf %add3A_548, %add3A_550 : vector<256x1xf32>
    %add3A_553 = arith.addf %add3A_551, %add3A_552 : vector<256x1xf32>
    %mul3A_554 = arith.mulf %get3A_39, %get3A_39 : vector<8192x256xf32>
    %reduce_sum3A = arith.constant dense<0.000000e+00> : vector<8192xf32>
    %reduce_sum3A_555 = vector.multi_reduction <add>, %mul3A_554, %reduce_sum3A [1] : vector<8192x256xf32> to vector<8192xf32>
    %broadcast_in_dim3A = vector.shape_cast %reduce_sum3A_555 : vector<8192xf32> to vector<1x8192xf32>
    %add3A_556 = vector.broadcast %add3A_553 : vector<256x1xf32> to vector<256x8192xf32>
    %add3A_557 = vector.broadcast %broadcast_in_dim3A : vector<1x8192xf32> to vector<256x8192xf32>
    %add3A_558 = arith.addf %add3A_556, %add3A_557 : vector<256x8192xf32>
    %mul3A_559 = arith.constant 2.000000e+00 : f32
    %mul3A_560 = vector.broadcast %mul3A_559 : f32 to vector<256x8192xf32>
    %mul3A_561 = arith.mulf %mul3A_560, %dot_general3A_43 : vector<256x8192xf32>
    %sub3A = arith.subf %add3A_558, %mul3A_561 : vector<256x8192xf32>
    %max3A_562 = arith.constant 0.000000e+00 : f32
    %max3A_563 = vector.broadcast %max3A_562 : f32 to vector<256x8192xf32>
    %max3A_564 = arith.maximumf %sub3A, %max3A_563 : vector<256x8192xf32>
    %sqrt3A = math.sqrt %max3A_564 : vector<256x8192xf32>
    %reduce_min3A = arith.constant dense<0x7F800000> : vector<256xf32>
    %reduce_min3A_565 = vector.multi_reduction <minimumf>, %sqrt3A, %reduce_min3A [1] : vector<256x8192xf32> to vector<256xf32>
    %broadcast_in_dim3A_566 = vector.shape_cast %reduce_min3A_565 : vector<256xf32> to vector<256x1xf32>
    %iota3A = tpu.iota {dimensions = array<i32: 1>} : vector<256x8192xi32>
    %eq3A = vector.broadcast %broadcast_in_dim3A_566 : vector<256x1xf32> to vector<256x8192xf32>
    %eq3A_567 = arith.cmpf oeq, %sqrt3A, %eq3A : vector<256x8192xf32>
    %jit3A = arith.constant 8192 : i32
    %broadcast_in_dim3A_568 = vector.broadcast %jit3A : i32 to vector<256x8192xi32>
    %select_n3A = arith.select %eq3A_567, %iota3A, %broadcast_in_dim3A_568 : vector<256x8192xi1>, vector<256x8192xi32>
    %reduce_min3A_569 = arith.constant dense<2147483647> : vector<256xi32>
    %reduce_min3A_570 = vector.multi_reduction <minsi>, %select_n3A, %reduce_min3A_569 [1] : vector<256x8192xi32> to vector<256xi32>
    %broadcast_in_dim3A_571 = vector.shape_cast %reduce_min3A_570 : vector<256xi32> to vector<256x1xi32>
    %swap3A_572 = arith.constant 0 : index
    %swap3A_573 = arith.constant 0 : index
    %swap3A_574 = vector.load %arg10[%swap3A_572, %swap3A_573] : memref<256x1xi32, #tpu.memory_space<vmem>>, vector<256x1xi32>
    tpu.vector_store %arg10[%swap3A_572, %swap3A_573], %broadcast_in_dim3A_571 {strides = array<i32>} : memref<256x1xi32, #tpu.memory_space<vmem>>, vector<256x1xi32>,
    return
  }
  func.func @transform_0(%arg0: i32) -> (i32, i32) {
    %c0_i32 = arith.constant 0 : i32
    %c0_i32_0 = arith.constant 0 : i32
    return %arg0, %c0_i32 : i32, i32
  }
  func.func @transform_1(%arg0: i32) -> (i32, i32) {
    %c0_i32 = arith.constant 0 : i32
    %c0_i32_0 = arith.constant 0 : i32
    %c0_i32_1 = arith.constant 0 : i32
    return %c0_i32, %c0_i32_0 : i32, i32
  }
  func.func @transform_2(%arg0: i32) -> (i32, i32) {
    %c0_i32 = arith.constant 0 : i32
    %c0_i32_0 = arith.constant 0 : i32
    %c0_i32_1 = arith.constant 0 : i32
    return %c0_i32, %c0_i32_0 : i32, i32
  }
  func.func @transform_3(%arg0: i32) -> (i32, i32) {
    %c0_i32 = arith.constant 0 : i32
    %c0_i32_0 = arith.constant 0 : i32
    %c0_i32_1 = arith.constant 0 : i32
    return %c0_i32, %c0_i32_0 : i32, i32
  }
  func.func @transform_4(%arg0: i32) -> (i32, i32) {
    %c0_i32 = arith.constant 0 : i32
    %c0_i32_0 = arith.constant 0 : i32
    %c0_i32_1 = arith.constant 0 : i32
    return %c0_i32, %c0_i32_0 : i32, i32
  }
  func.func @transform_5(%arg0: i32) -> (i32, i32) {
    %c0_i32 = arith.constant 0 : i32
    %c0_i32_0 = arith.constant 0 : i32
    %c0_i32_1 = arith.constant 0 : i32
    return %c0_i32, %c0_i32_0 : i32, i32
  }
  func.func @transform_6(%arg0: i32) -> (i32, i32) {
    %c0_i32 = arith.constant 0 : i32
    %c0_i32_0 = arith.constant 0 : i32
    %c0_i32_1 = arith.constant 0 : i32
    return %c0_i32, %c0_i32_0 : i32, i32
  }
  func.func @transform_7(%arg0: i32) -> (i32, i32) {
    %c0_i32 = arith.constant 0 : i32
    %c0_i32_0 = arith.constant 0 : i32
    %c0_i32_1 = arith.constant 0 : i32
    return %c0_i32, %c0_i32_0 : i32, i32
  }
  func.func @transform_8(%arg0: i32) -> (i32, i32) {
    %c0_i32 = arith.constant 0 : i32
    %c0_i32_0 = arith.constant 0 : i32
    return %arg0, %c0_i32 : i32, i32
  }
  func.func @transform_9(%arg0: i32) -> (i32, i32) {
    %c0_i32 = arith.constant 0 : i32
    %c0_i32_0 = arith.constant 0 : i32
    return %arg0, %c0_i32 : i32, i32
  }
}

module attributes {stable_mosaic.version = 14 : i64} {
  func.func @_dec_body(%arg0: i32, %arg1: memref<256x256xf32, #tpu.memory_space<vmem>>, %arg2: memref<256x256xf32, #tpu.memory_space<vmem>>, %arg3: memref<256x1024xf32, #tpu.memory_space<vmem>>, %arg4: memref<1x1024xf32, #tpu.memory_space<vmem>>, %arg5: memref<1024x1024xf32, #tpu.memory_space<vmem>>, %arg6: memref<1x1024xf32, #tpu.memory_space<vmem>>, %arg7: memref<1024x64xf32, #tpu.memory_space<vmem>>, %arg8: memref<1x64xf32, #tpu.memory_space<vmem>>, %arg9: memref<256x64xf32, #tpu.memory_space<vmem>>, %arg10: memref<1x1xf32, #tpu.memory_space<smem>>, %arg11: memref<1xf32, #tpu.memory_space<smem>>) attributes {dimension_semantics = [#tpu.dimension_semantics<arbitrary>], iteration_bounds = array<i64: 16>, scalar_prefetch = 0 : i64, scratch_operands = 1 : i64, tpu.core_type = #tpu.core_type<tc>, window_params = [{transform_indices = @transform_0, window_bounds = array<i64: 256, 256>}, {transform_indices = @transform_1, window_bounds = array<i64: 256, 256>}, {pipeline_mode = #tpu.pipeline_mode<synchronous>, transform_indices = @transform_2, window_bounds = array<i64: 256, 1024>}, {pipeline_mode = #tpu.pipeline_mode<synchronous>, transform_indices = @transform_3, window_bounds = array<i64: 1, 1024>}, {pipeline_mode = #tpu.pipeline_mode<synchronous>, transform_indices = @transform_4, window_bounds = array<i64: 1024, 1024>}, {pipeline_mode = #tpu.pipeline_mode<synchronous>, transform_indices = @transform_5, window_bounds = array<i64: 1, 1024>}, {pipeline_mode = #tpu.pipeline_mode<synchronous>, transform_indices = @transform_6, window_bounds = array<i64: 1024, 64>}, {pipeline_mode = #tpu.pipeline_mode<synchronous>, transform_indices = @transform_7, window_bounds = array<i64: 1, 64>}, {transform_indices = @transform_8, window_bounds = array<i64: 256, 64>}, {transform_indices = @transform_9, window_bounds = array<i64: 1, 1>}]} {
    %get3A = arith.constant 0 : index
    %get3A_0 = arith.constant 0 : index
    %get3A_1 = vector.load %arg1[%get3A, %get3A_0] : memref<256x256xf32, #tpu.memory_space<vmem>>, vector<256x256xf32>
    %get3A_2 = arith.constant 0 : index
    %get3A_3 = arith.constant 0 : index
    %get3A_4 = vector.load %arg3[%get3A_2, %get3A_3] : memref<256x1024xf32, #tpu.memory_space<vmem>>, vector<256x1024xf32>
    %dot_general3A = arith.constant dense<0.000000e+00> : vector<256x1024xf32>
    %dot_general3A_5 = tpu.matmul %get3A_1, %get3A_4, %dot_general3A {dimension_numbers = #tpu.dot_dimension_numbers<[1], [0], [0], [1], [0, 0, 1, 1], [], []>, transpose_lhs_hint = false} : vector<256x256xf32>, vector<256x1024xf32>, vector<256x1024xf32> -> vector<256x1024xf32>
    %get3A_6 = arith.constant 0 : index
    %get3A_7 = arith.constant 0 : index
    %get3A_8 = vector.load %arg4[%get3A_6, %get3A_7] : memref<1x1024xf32, #tpu.memory_space<vmem>>, vector<1x1024xf32>
    %add3A = vector.broadcast %get3A_8 : vector<1x1024xf32> to vector<256x1024xf32>
    %add3A_9 = arith.addf %dot_general3A_5, %add3A : vector<256x1024xf32>
    %max3A = arith.constant 0.000000e+00 : f32
    %max3A_10 = vector.broadcast %max3A : f32 to vector<256x1024xf32>
    %max3A_11 = arith.maximumf %add3A_9, %max3A_10 : vector<256x1024xf32>
    %convert_element_type3A = arith.truncf %max3A_11 : vector<256x1024xf32> to vector<256x1024xbf16>
    %get3A_12 = arith.constant 0 : index
    %get3A_13 = arith.constant 0 : index
    %get3A_14 = vector.load %arg5[%get3A_12, %get3A_13] : memref<1024x1024xf32, #tpu.memory_space<vmem>>, vector<1024x1024xf32>
    %dot_general3A_15 = arith.constant dense<0.000000e+00> : vector<256x1024xf32>
    %dot_general3A_16 = tpu.matmul %convert_element_type3A, %get3A_14, %dot_general3A_15 {dimension_numbers = #tpu.dot_dimension_numbers<[1], [0], [0], [1], [0, 0, 1, 1], [], []>, transpose_lhs_hint = false} : vector<256x1024xbf16>, vector<1024x1024xf32>, vector<256x1024xf32> -> vector<256x1024xf32>
    %get3A_17 = arith.constant 0 : index
    %get3A_18 = arith.constant 0 : index
    %get3A_19 = vector.load %arg6[%get3A_17, %get3A_18] : memref<1x1024xf32, #tpu.memory_space<vmem>>, vector<1x1024xf32>
    %add3A_20 = vector.broadcast %get3A_19 : vector<1x1024xf32> to vector<256x1024xf32>
    %add3A_21 = arith.addf %dot_general3A_16, %add3A_20 : vector<256x1024xf32>
    %max3A_22 = arith.constant 0.000000e+00 : f32
    %max3A_23 = vector.broadcast %max3A_22 : f32 to vector<256x1024xf32>
    %max3A_24 = arith.maximumf %add3A_21, %max3A_23 : vector<256x1024xf32>
    %get3A_25 = arith.constant 0 : index
    %get3A_26 = arith.constant 0 : index
    %get3A_27 = vector.load %arg7[%get3A_25, %get3A_26] : memref<1024x64xf32, #tpu.memory_space<vmem>>, vector<1024x64xf32>
    %dot_general3A_28 = arith.constant dense<0.000000e+00> : vector<256x64xf32>
    %dot_general3A_29 = tpu.matmul %max3A_24, %get3A_27, %dot_general3A_28 {dimension_numbers = #tpu.dot_dimension_numbers<[1], [0], [0], [1], [0, 0, 1, 1], [], []>, transpose_lhs_hint = false} : vector<256x1024xf32>, vector<1024x64xf32>, vector<256x64xf32> -> vector<256x64xf32>
    %get3A_30 = arith.constant 0 : index
    %get3A_31 = arith.constant 0 : index
    %get3A_32 = vector.load %arg8[%get3A_30, %get3A_31] : memref<1x64xf32, #tpu.memory_space<vmem>>, vector<1x64xf32>
    %add3A_33 = vector.broadcast %get3A_32 : vector<1x64xf32> to vector<256x64xf32>
    %add3A_34 = arith.addf %dot_general3A_29, %add3A_33 : vector<256x64xf32>
    %tanh3A = math.tanh %add3A_34 : vector<256x64xf32>
    %swap3A = arith.constant 0 : index
    %swap3A_35 = arith.constant 0 : index
    %swap3A_36 = vector.load %arg9[%swap3A, %swap3A_35] : memref<256x64xf32, #tpu.memory_space<vmem>>, vector<256x64xf32>
    tpu.vector_store %arg9[%swap3A, %swap3A_35], %tanh3A {strides = array<i32>} : memref<256x64xf32, #tpu.memory_space<vmem>>, vector<256x64xf32>,
    %get3A_37 = arith.constant 0 : index
    %get3A_38 = arith.constant 0 : index
    %get3A_39 = vector.load %arg2[%get3A_37, %get3A_38] : memref<256x256xf32, #tpu.memory_space<vmem>>, vector<256x256xf32>
    %sub3A = arith.subf %get3A_39, %get3A_1 : vector<256x256xf32>
    %mul3A = arith.mulf %sub3A, %sub3A : vector<256x256xf32>
    %reduce_sum3A = vector.shape_cast %mul3A : vector<256x256xf32> to vector<1x256x256xf32>
    %reduce_sum3A_40 = arith.constant dense<0.000000e+00> : vector<1xf32>
    %reduce_sum3A_41 = vector.multi_reduction <add>, %reduce_sum3A, %reduce_sum3A_40 [1, 2] : vector<1x256x256xf32> to vector<1xf32>
    %reduce_sum3A_42 = vector.shape_cast %reduce_sum3A_41 : vector<1xf32> to vector<1x1x1xf32>
    %reduce_sum3A_43 = vector.extract %reduce_sum3A_42[0, 0, 0] : f32 from vector<1x1x1xf32>
    %eq3A = arith.constant 0 : i32
    %eq3A_44 = arith.cmpi eq, %arg0, %eq3A : i32
    %convert_element_type3A_45 = arith.extui %eq3A_44 : i1 to i32
    %cond3A = arith.constant 0 : i32
    %cond3A_46 = arith.cmpi ne, %convert_element_type3A_45, %cond3A : i32
    scf.if %cond3A_46 {
      %swap3A_56 = arith.constant 0 : index
      %swap3A_57 = memref.load %arg11[%swap3A_56] : memref<1xf32, #tpu.memory_space<smem>>
      memref.store %reduce_sum3A_43, %arg11[%swap3A_56] : memref<1xf32, #tpu.memory_space<smem>>
    } else {
    }
    %gt3A = arith.constant 0 : i32
    %gt3A_47 = arith.cmpi sgt, %arg0, %gt3A : i32
    %convert_element_type3A_48 = arith.extui %gt3A_47 : i1 to i32
    %cond3A_49 = arith.constant 0 : i32
    %cond3A_50 = arith.cmpi ne, %convert_element_type3A_48, %cond3A_49 : i32
    scf.if %cond3A_50 {
      %get3A_56 = arith.constant 0 : index
      %get3A_57 = memref.load %arg11[%get3A_56] : memref<1xf32, #tpu.memory_space<smem>>
      %add3A_58 = arith.addf %get3A_57, %reduce_sum3A_43 : f32
      %swap3A_59 = arith.constant 0 : index
      %swap3A_60 = memref.load %arg11[%swap3A_59] : memref<1xf32, #tpu.memory_space<smem>>
      memref.store %add3A_58, %arg11[%swap3A_59] : memref<1xf32, #tpu.memory_space<smem>>
    } else {
    }
    %eq3A_51 = arith.constant 15 : i32
    %eq3A_52 = arith.cmpi eq, %arg0, %eq3A_51 : i32
    %convert_element_type3A_53 = arith.extui %eq3A_52 : i1 to i32
    %cond3A_54 = arith.constant 0 : i32
    %cond3A_55 = arith.cmpi ne, %convert_element_type3A_53, %cond3A_54 : i32
    scf.if %cond3A_55 {
      %get3A_56 = arith.constant 0 : index
      %get3A_57 = memref.load %arg11[%get3A_56] : memref<1xf32, #tpu.memory_space<smem>>
      %mul3A_58 = arith.constant 1.1920929E-6 : f32
      %mul3A_59 = arith.mulf %get3A_57, %mul3A_58 : f32
      %swap3A_60 = arith.constant 0 : index
      %swap3A_61 = arith.constant 0 : index
      %swap3A_62 = memref.load %arg10[%swap3A_60, %swap3A_61] : memref<1x1xf32, #tpu.memory_space<smem>>
      memref.store %mul3A_59, %arg10[%swap3A_60, %swap3A_61] : memref<1x1xf32, #tpu.memory_space<smem>>
    } else {
    }
    return
  }
  func.func @transform_0(%arg0: i32) -> (i32, i32) {
    %c0_i32 = arith.constant 0 : i32
    %c0_i32_0 = arith.constant 0 : i32
    return %arg0, %c0_i32 : i32, i32
  }
  func.func @transform_1(%arg0: i32) -> (i32, i32) {
    %c0_i32 = arith.constant 0 : i32
    %c0_i32_0 = arith.constant 0 : i32
    return %arg0, %c0_i32 : i32, i32
  }
  func.func @transform_2(%arg0: i32) -> (i32, i32) {
    %c0_i32 = arith.constant 0 : i32
    %c0_i32_0 = arith.constant 0 : i32
    %c0_i32_1 = arith.constant 0 : i32
    return %c0_i32, %c0_i32_0 : i32, i32
  }
  func.func @transform_3(%arg0: i32) -> (i32, i32) {
    %c0_i32 = arith.constant 0 : i32
    %c0_i32_0 = arith.constant 0 : i32
    %c0_i32_1 = arith.constant 0 : i32
    return %c0_i32, %c0_i32_0 : i32, i32
  }
  func.func @transform_4(%arg0: i32) -> (i32, i32) {
    %c0_i32 = arith.constant 0 : i32
    %c0_i32_0 = arith.constant 0 : i32
    %c0_i32_1 = arith.constant 0 : i32
    return %c0_i32, %c0_i32_0 : i32, i32
  }
  func.func @transform_5(%arg0: i32) -> (i32, i32) {
    %c0_i32 = arith.constant 0 : i32
    %c0_i32_0 = arith.constant 0 : i32
    %c0_i32_1 = arith.constant 0 : i32
    return %c0_i32, %c0_i32_0 : i32, i32
  }
  func.func @transform_6(%arg0: i32) -> (i32, i32) {
    %c0_i32 = arith.constant 0 : i32
    %c0_i32_0 = arith.constant 0 : i32
    %c0_i32_1 = arith.constant 0 : i32
    return %c0_i32, %c0_i32_0 : i32, i32
  }
  func.func @transform_7(%arg0: i32) -> (i32, i32) {
    %c0_i32 = arith.constant 0 : i32
    %c0_i32_0 = arith.constant 0 : i32
    %c0_i32_1 = arith.constant 0 : i32
    return %c0_i32, %c0_i32_0 : i32, i32
  }
  func.func @transform_8(%arg0: i32) -> (i32, i32) {
    %c0_i32 = arith.constant 0 : i32
    %c0_i32_0 = arith.constant 0 : i32
    return %arg0, %c0_i32 : i32, i32
  }
  func.func @transform_9(%arg0: i32) -> (i32, i32) {
    %c0_i32 = arith.constant 0 : i32
    %c0_i32_0 = arith.constant 0 : i32
    %c0_i32_1 = arith.constant 0 : i32
    return %c0_i32, %c0_i32_0 : i32, i32
  }
}

</mosaic_0001>

<sc_bundles>
// kernel: kernel.5.cloned.1.call-start
scs
__scs_entry_jumppad:
0x0: {  	(pc) =	sbr.rel $0x88, $3  }
0x1: {  	(tag) =	ssettag $0x0;
	lr =	simm.s32 $0x1  }
0x2: {  	[smem:$0x3F93] =	sst lr;
	_ =	strace $0xD0000000  }
0x3: {  	_ = 	snop  }
0x4: {  	_ = 	snop  }
0x5: {  	_ = 	snop  }
0x6: {  	_ = 	snop  }
0x7: {  	_ = 	snop  }
__scs_overlays_trampoline_lowered:
0x8: {  	[smem:$0x3FA2] =	sst s0  }
0x9: {  	[smem:$0x3FA3] =	sst s1  }
0xa: {  	[smem:$0x3FA4] =	sst s2  }
0xb: {  	[smem:$0x3FA5] =	sst s3  }
0xc: {  	[smem:$0x3FA6] =	sst s4  }
0xd: {  	[smem:$0x3FA7] =	sst s5  }
0xe: {  	[smem:$0x3FA8] =	sst s6  }
0xf: {  	[smem:$0x3FA9] =	sst s7  }
0x10: {  	[smem:$0x3FAA] =	sst s8  }
0x11: {  	[smem:$0x3FAB] =	sst s9;
	s0 =	simm.s32 @!p0 $0x0  }
0x12: {  	s1 =	sld [smem:$0x3F91];
	s0 =	simm.s32 @p0 $0x1  }
0x13: {  	[smem:$0x3FAC] =	sst s0;
	s0 =	simm.s32 @!p1 $0x0  }
0x14: {  	s2 =	sld [smem:$0x3F90];
	s0 =	simm.s32 @p1 $0x1  }
0x15: {  	[smem:$0x3FAD] =	sst s0;
	s0 =	simm.s32 @!p2 $0x0  }
0x16: {  	s3 =	sld [smem:$0x3FDB];
	s0 =	simm.s32 @p2 $0x1  }
0x17: {  	s4 =	simm.s32 $0x1BF5;
	[smem:$0x3FAF] =	sst s0  }
0x18: {  	s0 =	sld [smem:$0x3F92];
	_ =	swait.ge [sflag:s4], $0x0  }
0x19: {  	s7 =	sld [smem:$0x3F93]  }
0x1a: {  	s8 =	sadd.s32 $0xFFFFE003, lr  }
0x1b: {  	s9 =	sadd.s32 $0xFFFFFEF7, lr;
	s5 =	simm.s32 $0xFFFFFFFF;
	p2 =	slt.u32 s8, $0xFFFFF086  }
0x1c: {  	p1 =	slt.u32 s9, $0xF7A;
	s5 =	simm.s32 @!p2 $0x0  }
0x1d: {  	s5 =	simm.s32 @p1 $0x1;
	p0 =	seq.s32 s7, s2  }
0x1e: {  	s7 =	smul.u32 @!p0 $0xF7A, s2;
	p2 =	seq.s32 @!p0 s5, $0x0  }
0x1f: {  	s9 =	smul.u32 $0xF7A, s1;
	s8 =	simm.s32 @!p0 $0x1BF5;
	p2 =	por !p2, p0  }
0x20: {  	[sflag:s8] =	ssyncset.s32 @!p0 $0xFFFFF086;
	s6 =	sadd.s32 @!p0 s3, s7;
	s7 =	simm.s32 @!p0 $0x108  }
0x21: {  	s3 =	sadd.s32 s3, s9;
	s6 =	sadd.s32 @!p0 $0x88, s6;
	s7 =	simm.s32 @p2 $0x1082  }
0x22: {  	[simem:s7], [sflag:s8] =	dma.local @!p0 [hbm:s6], $0xF7A  }
0x23: {  	s9 =	sor.u32 $0xD0000000, s2;
	s6 =	simm.s32 $0x108;
	_ =	swait.ge @!p0 [sflag:s8], $0x0  }
0x24: {  	s3 =	sadd.s32 $0x88, s3;
	s6 =	simm.s32 @!p1 $0x1082;
	[sflag:s4] =	ssyncset.s32 $0xFFFFF086  }
0x25: {  	[simem:s6], [sflag:s4] =	dma.local [hbm:s3], $0xF7A  }
0x26: {  	[smem:$0x3F93] =	sst s1;
	(tag) =	ssettag s2;
	_ =	strace s9  }
0x27: {  	s1 =	sld [smem:$0x3FA3]  }
0x28: {  	s2 =	sld [smem:$0x3FA4]  }
0x29: {  	s4 =	sld [smem:$0x3FA6]  }
0x2a: {  	p0 =	seq.s32 s5, $0x0;
	s5 =	sld [smem:$0x3FA7]  }
0x2b: {  	s6 =	sld [smem:$0x3FA8]  }
0x2c: {  	s7 =	sld [smem:$0x3FA9]  }
0x2d: {  	s3 =	simm.s32 $0x108;
	s8 =	sld [smem:$0x3FAA]  }
0x2e: {  	s3 =	simm.s32 @!p0 $0x1082;
	s9 =	sld [smem:$0x3FAB]  }
0x2f: {  	lr =	sadd.s32 s0, s3;
	s0 =	sld [smem:$0x3FA2]  }
0x30: {  	s3 =	sld [smem:$0x3FA5]  }
0x31: {  	[smem:$0x3FAE] =	sst s10  }
0x32: {  	s10 =	sld [smem:$0x3FAC];
	_ =	sdelay $0x3  }
0x33: {  	p0 =	seq.s32 s10, $0x1;
	s10 =	sld [smem:$0x3FAE];
	_ =	sdelay $0x3  }
0x34: {  	[smem:$0x3FAE] =	sst s10  }
0x35: {  	s10 =	sld [smem:$0x3FAD];
	_ =	sdelay $0x3  }
0x36: {  	p1 =	seq.s32 s10, $0x1;
	s10 =	sld [smem:$0x3FAE];
	_ =	sdelay $0x3  }
0x37: {  	[smem:$0x3FAE] =	sst s10  }
0x38: {  	s10 =	sld [smem:$0x3FAF]  }
0x39: {  	_ = 	snop;
	(pc) =	sbr.ind lr, $3  }
0x3a: {  	_ = 	snop  }
0x3b: {  	_ = 	snop  }
0x3c: {  	p2 =	seq.s32 s10, $0x1;
	s10 =	sld [smem:$0x3FAE]  }
0x3d: {  	_ =	shalt  }
0x3e: {  	_ =	shalt  }
0x3f: {  	_ =	shalt  }
0x40: {  	_ =	shalt  }
0x41: {  	_ =	shalt  }
0x42: {  	_ =	shalt  }
0x43: {  	_ =	shalt  }
0x44: {  	_ =	shalt  }
0x45: {  	_ =	shalt  }
0x46: {  	_ =	shalt  }
0x47: {  	_ =	shalt  }
0x48: {  	_ =	shalt  }
0x49: {  	_ =	shalt  }
0x4a: {  	_ =	shalt  }
0x4b: {  	_ =	shalt  }
0x4c: {  	_ =	shalt  }
0x4d: {  	_ =	shalt  }
0x4e: {  	_ =	shalt  }
0x4f: {  	_ =	shalt  }
0x50: {  	_ =	shalt  }
0x51: {  	_ =	shalt  }
0x52: {  	_ =	shalt  }
0x53: {  	_ =	shalt  }
0x54: {  	_ =	shalt  }
0x55: {  	_ =	shalt  }
0x56: {  	_ =	shalt  }
0x57: {  	_ =	shalt  }
0x58: {  	_ =	shalt  }
0x59: {  	_ =	shalt  }
0x5a: {  	_ =	shalt  }
0x5b: {  	_ =	shalt  }
0x5c: {  	_ =	shalt  }
0x5d: {  	_ =	shalt  }
0x5e: {  	_ =	shalt  }
0x5f: {  	_ =	shalt  }
0x60: {  	_ =	shalt  }
0x61: {  	_ =	shalt  }
0x62: {  	_ =	shalt  }
0x63: {  	_ =	shalt  }
0x64: {  	_ =	shalt  }
0x65: {  	_ =	shalt  }
0x66: {  	_ =	shalt  }
0x67: {  	_ =	shalt  }
0x68: {  	_ =	shalt  }
0x69: {  	_ =	shalt  }
0x6a: {  	_ =	shalt  }
0x6b: {  	_ =	shalt  }
0x6c: {  	_ =	shalt  }
0x6d: {  	_ =	shalt  }
0x6e: {  	_ =	shalt  }
0x6f: {  	_ =	shalt  }
0x70: {  	_ =	shalt  }
0x71: {  	_ =	shalt  }
0x72: {  	_ =	shalt  }
0x73: {  	_ =	shalt  }
0x74: {  	_ =	shalt  }
0x75: {  	_ =	shalt  }
0x76: {  	_ =	shalt  }
0x77: {  	_ =	shalt  }
0x78: {  	_ =	shalt  }
0x79: {  	_ =	shalt  }
0x7a: {  	_ =	shalt  }
0x7b: {  	_ =	shalt  }
0x7c: {  	_ =	shalt  }
0x7d: {  	_ =	shalt  }
0x7e: {  	_ =	shalt  }
0x7f: {  	_ =	shalt  }
0x80: {  	_ =	shalt  }
0x81: {  	_ =	shalt  }
0x82: {  	_ =	shalt  }
0x83: {  	_ =	shalt  }
0x84: {  	_ =	shalt  }
0x85: {  	_ =	shalt  }
0x86: {  	_ =	shalt  }
0x87: {  	_ =	shalt  }
.Lfunc_end0:
.L_simem_size_0:
called_computation_lowered:
.L_overlay_start_0:
0x88: {  	s2 =	sld [smem:$0x3FD9]  }
0x89: {  	s3 =	sld [smem:$0x3FFE];
	_ =	sdelay $0x1  }
0x8a: {  	s1 =	srdreg.scid  }
0x8b: {  	s0 =	sand.u32 $0x1, s1  }
0x8c: {  	s14 =	sshll.u32 s0, $0xA;
	s2 =	sadd.s32 s3, s2  }
0x8d: {  	s2 =	sadd.s32 s2, s14  }
0x8e: {  	[smem:$0x3FBA] =	sst s2  }
0x8f: {  	_ = 	snop  }
0x90: {  	s2 =	sld [smem:$0x3FD0];
	_ =	sdelay $0x2  }
0x91: {  	s4 =	simm.s32 $0xA;
	s5 =	simm.s32 $0x10;
	s15 =	sld [smem:$0x3FC2]  }
0x92: {  	[smem:s5], [sflag:s4] =	dma.local [hbm:s2], $0x1  }
0x93: {  	_ =	swait.eq [sflag:s4], $0x1  }
0x94: {  	[sflag:s4] =	ssyncset.done $0x0  }
0x95: {  	[sflag:s4] =	ssyncadd.s32 $0xFFFFFFFF  }
0x96: {  	s16 =	sld [smem:$0x11];
	(tm) =	ssettm $0x1  }
0x97: {  	s17 =	sld [smem:$0x3FFB];
	_ =	sdelay $0x3  }
0x98: {  	_ =	strace s17  }
0x99: {  	s4 =	sld [smem:$0x3FFC];
	_ =	sdelay $0x3  }
0x9a: {  	_ =	strace s4  }
0x9b: {  	s4 =	sld [smem:$0x3FFD];
	_ =	sdelay $0x3  }
0x9c: {  	_ =	strace s4  }
0x9d: {  	_ =	strace $0x8FFFFFFF  }
0x9e: {  	s18 =	sld [smem:$0x3FDB];
	_ =	sdelay $0x1  }
0x9f: {  	s19 =	simm.s32 $_scs_section_size  }
0xa0: {  	s6 =	simm.s32 $_size__tile_overlayer_lowered;
	s7 =	simm.s32 $_tile_overlayer_lowered  }
0xa1: {  	s22 =	simm.s32 $0x1BFF;
	s21 =	sshll.u32 s7, $0x1;
	s4 =	sadd.s32 s19, s18  }
0xa2: {  	s8 =	simm.s32 $0x0;
	s20 =	sshll.u32 s6, $0x1;
	s6 =	sadd.s32 s21, s4  }
0xa3: {  	[timem:s8], [sflag:s22] =	dma.local [hbm:s6], s20  }
0xa4: {  	_ =	swait.ge [sflag:s22], s20  }
0xa5: {  	s5 =	ssub.s32 $0x0, s20;
	[sflag:s22] =	ssyncset.done $0x0  }
0xa6: {  	[sflag:s22] =	ssyncadd.s32 s5;
	_ =	sdelay $0x1  }
0xa7: {  	s23 =	simm.s32 $0x1B8B  }
0xa8: {  	_ =	swait.ge [sflag:s23], $0x1  }
0xa9: {  	[sflag:s23] =	ssyncset.done $0x0  }
0xaa: {  	s25 =	simm.s32 $0x1B8E;
	s24 =	sld [smem:$0x3FFE];
	[sflag:s23] =	ssyncadd.s32 $0xFFFFFFFF  }
0xab: {  	s26 =	simm.s32 $execute0_lowered;
	[smem:$0x3FD2] =	sst s25  }
0xac: {  	s6 =	sshll.u32 s26, $0x1;
	_ =	strace $0x80000046;
	[dreg:$0x1] =	wrdreg $0xFFFFFFFF  }
0xad: {  	s28 =	simm.s32 $_size_execute0_lowered;
	s4 =	sadd.s32 s4, s6;
	[dreg:$0x0] =	wrdreg $0x0  }
0xae: {  	s6 =	sshll.u32 s28, $0x1;
	[dreg:$0x2] =	wrdreg s4  }
0xaf: {  	[dreg:$0x3] =	wrdreg s6  }
0xb0: {  	[dreg:$0x4] =	wrdreg $0xC0  }
0xb1: {  	_ =	task [dreg:s8], $0x5FFFF  }
0xb2: {  	[dreg:$0x1] =	wrdreg $0xFFFFFFFF  }
0xb3: {  	[dreg:$0x0] =	wrdreg $0x60  }
0xb4: {  	[dreg:$0x2] =	wrdreg s15  }
0xb5: {  	[dreg:$0x3] =	wrdreg s16  }
0xb6: {  	[dreg:$0x4] =	wrdreg s24  }
0xb7: {  	[dreg:$0x5] =	wrdreg $0x9  }
0xb8: {  	_ =	task.clear_ibuf [dreg:s8], $0x6FFFF;
	_ =	strace $0x90000046  }
0xb9: {  	s29 =	simm.s32 $0x9;
	_ =	strace $0x80000048  }
0xba: {  	_ =	swait.ge [sflag:s29], $0x1  }
0xbb: {  	[sflag:s29] =	ssyncadd.s32 $0xFFFFFFFF  }
0xbc: {  	_ =	strace $0x90000048  }
0xbd: {  	_ =	sfence  }
0xbe: {  	s30 =	sld [smem:$0x0];
	_ =	sdelay $0x2  }
0xbf: {  	s31 =	sshll.u32 s1, $0xD;
	s1 =	sshrl.u32 s1, $0x2  }
0xc0: {  	s3 =	sand.u32 $0x4000, s31;
	s1 =	sadd.s32 s1, s30  }
0xc1: {  	s0 =	sor.u32 s3, s0;
	s1 =	sshll.u32 s1, $0x11  }
0xc2: {  	s0 =	sor.u32 s1, s0  }
0xc3: {  	s0 =	sadd.s32 $0x8F2B, s0  }
0xc4: {  	[sflag:s0] =	ssyncadd.remote.s32 $0x1  }
0xc5: {  	_ =	sfence.sel $0xFFFF  }
0xc6: {  	[dreg:$0x0] =	wrdreg $0xFFFFFFFF;
	(pc) =	sbr.abs _section_cstart, $3  }
0xc7: {  	[dreg:$0x1] =	wrdreg $0xFFFFFFFF  }
0xc8: {  	_ =	task.clear_ibuf [dreg:s8], $0x2FFFF;
	_ =	strace $0x9FFFFFFF  }
0xc9: {  	(tm) =	ssettm $0x7FFFFFFF  }
tec
execute0_lowered:
.L_overlay_start_1:
0x0: {  	(tag) =	ssettag $0x1  }
0x1: {  	s1 =	rddreg [dreg:$0x0]  }
0x2: {  	s4 =	rddreg [dreg:$0x1]  }
0x3: {  	s5 =	rddreg [dreg:$0x2];
	s3 =	srdreg.scid  }
0x4: {  	s0 =	rddreg [dreg:$0x3];
	s2 =	stileid.u32;
	s10 =	simm.s32 $0x1080  }
0x5: {  	s11 =	simm.s32 $0x1880;
	s12 =	simm.s32 $0x2080;
	s13 =	simm.s32 $0x2880  }
0x6: {  	s14 =	simm.s32 $0x3080;
	s15 =	simm.s32 $0x3880;
	s16 =	simm.s32 $0x4080  }
0x7: {  	s17 =	simm.s32 $0x4880;
	s18 =	simm.s32 $0x5080;
	s19 =	simm.s32 $0x5880  }
0x8: {  	s20 =	simm.s32 $0x6080;
	s21 =	simm.s32 $0x6880;
	s22 =	simm.s32 $0x7080  }
0x9: {  	s23 =	simm.s32 $0x7880;
	s24 =	simm.s32 $0x1;
	s6 =	sand.u32 $0x1, s3  }
0xa: {  	s3 =	simm.s32 $0x0;
	s7 =	sshll.u32 s2, $0x8;
	s8 =	sshll.u32 s6, $0x7  }
0xb: {  	[smem:$0x7FF] =	sst s3;
	s6 =	ssub.s32 $0x2, s6;
	s7 =	sor.u32 s8, s7  }
0xc: {  	_ =	strace $0x80000047;
	s9 =	sshrl.u32 s6, $0x1;
	s8 =	sshll.u32 s7, $0x5  }
0xd: {  	v2 =	vlaneseq.u32;
	s6 =	ssub.s32 s6, s9;
	s7 =	sshrl.u32 s7, $0x3;
	s9 =	simm.s32 $0x880  }
0xe: {  	vm0 =	vmmov $0xffff;
	v1 =	vshrl.u32 v2, $0x3;
	s5 =	sadd.s32 s8, s5;
	s4 =	sadd.s32 s4, s7;
	s6 =	smax.u32 s6, $0x1  }
0xf: {  	v0 =	vand.u32 $0x7, v2;
	v2 =	vor.u32 $0x8, v2;
	v1 =	vmul.u32 $0x8, v1;
	s7 =	simm.s32 $0x2;
	s8 =	simm.s32 $0x80;
	s5 =	sadd.s32 $0x2000, s5  }
.LBB2_1:
0x10: {  	[tilespmem:s3], [sflag:$0x2] =	stream.linear.gather [hbm4b:s4+s3], $0x80, $0x38;
	[tilespmem:$0x8080] =	vst v63  }
0x11: {  	_ =	swait.ge [sflag:s7], $0x80  }
0x12: {  	[sflag:s7] =	ssyncset.done $0x0  }
0x13: {  	[sflag:s7] =	ssyncadd.s32 $0xFFFFFF80  }
0x14: {  	v3 =	vld [tilespmem:$0x0];
	_ =	sdelay $0x4  }
0x15: {  	v4 =	vshll.u32 v3, $0x1  }
0x16: {  	v3 =	vand.u32 $0x7, v3;
	v4 =	vand.u32 $0xFFFFFFF0, v4  }
0x17: {  	v3 =	vor.u32 v3, v4  }
0x18: {  	v4 =	vperm.xlane v3, v0;
	_ =	sdelay $0x1  }
0x19: {  	v3 =	vperm.xlane v3, v2;
	v4 =	vadd.s32 v1, v4;
	_ =	sdelay $0x1  }
0x1a: {  	v3 =	vadd.s32 v1, v3;
	_ =	sdelay $0x2  }
0x1b: {  	[tilespmem:s8], [sflag:$0x1] =	stream.indirect_vreg.gather [hbm4b:s1+s3], $0x80, v4, vm0, $0xb8;
	[tilespmem:$0x8080] =	vst v63  }
0x1c: {  	_ = 	snop  }
0x1d: {  	[tilespmem:s9], [sflag:$0x1] =	stream.indirect_vreg.gather [hbm4b:s1+s3], $0x80, v3, vm0, $0xb8;
	[tilespmem:$0x8080] =	vst v63  }
0x1e: {  	v3 =	vld [tilespmem:$0x10];
	_ =	sdelay $0x4  }
0x1f: {  	v57 =	vshll.u32 v3, $0x1  }
0x20: {  	v3 =	vand.u32 $0x7, v3;
	v4 =	vand.u32 $0xFFFFFFF0, v57  }
0x21: {  	v3 =	vor.u32 v3, v4  }
0x22: {  	v4 =	vperm.xlane v3, v0;
	_ =	sdelay $0x1  }
0x23: {  	v3 =	vperm.xlane v3, v2;
	v4 =	vadd.s32 v1, v4;
	_ =	sdelay $0x1  }
0x24: {  	v3 =	vadd.s32 v1, v3;
	_ =	sdelay $0x2  }
0x25: {  	[tilespmem:s10], [sflag:$0x1] =	stream.indirect_vreg.gather [hbm4b:s1+s3], $0x80, v4, vm0, $0xb8;
	[tilespmem:$0x8080] =	vst v63  }
0x26: {  	_ = 	snop  }
0x27: {  	[tilespmem:s11], [sflag:$0x1] =	stream.indirect_vreg.gather [hbm4b:s1+s3], $0x80, v3, vm0, $0xb8;
	[tilespmem:$0x8080] =	vst v63  }
0x28: {  	v3 =	vld [tilespmem:$0x20];
	_ =	sdelay $0x4  }
0x29: {  	v58 =	vshll.u32 v3, $0x1  }
0x2a: {  	v3 =	vand.u32 $0x7, v3;
	v4 =	vand.u32 $0xFFFFFFF0, v58  }
0x2b: {  	v3 =	vor.u32 v3, v4  }
0x2c: {  	v4 =	vperm.xlane v3, v0;
	_ =	sdelay $0x1  }
0x2d: {  	v3 =	vperm.xlane v3, v2;
	v4 =	vadd.s32 v1, v4;
	_ =	sdelay $0x1  }
0x2e: {  	v3 =	vadd.s32 v1, v3;
	_ =	sdelay $0x2  }
0x2f: {  	[tilespmem:s12], [sflag:$0x1] =	stream.indirect_vreg.gather [hbm4b:s1+s3], $0x80, v4, vm0, $0xb8;
	[tilespmem:$0x8080] =	vst v63  }
0x30: {  	_ = 	snop  }
0x31: {  	[tilespmem:s13], [sflag:$0x1] =	stream.indirect_vreg.gather [hbm4b:s1+s3], $0x80, v3, vm0, $0xb8;
	[tilespmem:$0x8080] =	vst v63  }
0x32: {  	v3 =	vld [tilespmem:$0x30];
	_ =	sdelay $0x4  }
0x33: {  	v59 =	vshll.u32 v3, $0x1  }
0x34: {  	v3 =	vand.u32 $0x7, v3;
	v4 =	vand.u32 $0xFFFFFFF0, v59  }
0x35: {  	v3 =	vor.u32 v3, v4  }
0x36: {  	v4 =	vperm.xlane v3, v0;
	_ =	sdelay $0x1  }
0x37: {  	v3 =	vperm.xlane v3, v2;
	v4 =	vadd.s32 v1, v4;
	_ =	sdelay $0x1  }
0x38: {  	v3 =	vadd.s32 v1, v3;
	_ =	sdelay $0x2  }
0x39: {  	[tilespmem:s14], [sflag:$0x1] =	stream.indirect_vreg.gather [hbm4b:s1+s3], $0x80, v4, vm0, $0xb8;
	[tilespmem:$0x8080] =	vst v63  }
0x3a: {  	_ = 	snop  }
0x3b: {  	[tilespmem:s15], [sflag:$0x1] =	stream.indirect_vreg.gather [hbm4b:s1+s3], $0x80, v3, vm0, $0xb8;
	[tilespmem:$0x8080] =	vst v63  }
0x3c: {  	v3 =	vld [tilespmem:$0x40];
	_ =	sdelay $0x4  }
0x3d: {  	v60 =	vshll.u32 v3, $0x1  }
0x3e: {  	v3 =	vand.u32 $0x7, v3;
	v4 =	vand.u32 $0xFFFFFFF0, v60  }
0x3f: {  	v3 =	vor.u32 v3, v4  }
0x40: {  	v4 =	vperm.xlane v3, v0;
	_ =	sdelay $0x1  }
0x41: {  	v3 =	vperm.xlane v3, v2;
	v4 =	vadd.s32 v1, v4;
	_ =	sdelay $0x1  }
0x42: {  	v3 =	vadd.s32 v1, v3;
	_ =	sdelay $0x2  }
0x43: {  	[tilespmem:s16], [sflag:$0x1] =	stream.indirect_vreg.gather [hbm4b:s1+s3], $0x80, v4, vm0, $0xb8;
	[tilespmem:$0x8080] =	vst v63  }
0x44: {  	_ = 	snop  }
0x45: {  	[tilespmem:s17], [sflag:$0x1] =	stream.indirect_vreg.gather [hbm4b:s1+s3], $0x80, v3, vm0, $0xb8;
	[tilespmem:$0x8080] =	vst v63  }
0x46: {  	v3 =	vld [tilespmem:$0x50];
	_ =	sdelay $0x4  }
0x47: {  	v61 =	vshll.u32 v3, $0x1  }
0x48: {  	v3 =	vand.u32 $0x7, v3;
	v4 =	vand.u32 $0xFFFFFFF0, v61  }
0x49: {  	v3 =	vor.u32 v3, v4  }
0x4a: {  	v4 =	vperm.xlane v3, v0;
	_ =	sdelay $0x1  }
0x4b: {  	v3 =	vperm.xlane v3, v2;
	v4 =	vadd.s32 v1, v4;
	_ =	sdelay $0x1  }
0x4c: {  	v3 =	vadd.s32 v1, v3;
	_ =	sdelay $0x2  }
0x4d: {  	[tilespmem:s18], [sflag:$0x1] =	stream.indirect_vreg.gather [hbm4b:s1+s3], $0x80, v4, vm0, $0xb8;
	[tilespmem:$0x8080] =	vst v63  }
0x4e: {  	_ = 	snop  }
0x4f: {  	[tilespmem:s19], [sflag:$0x1] =	stream.indirect_vreg.gather [hbm4b:s1+s3], $0x80, v3, vm0, $0xb8;
	[tilespmem:$0x8080] =	vst v63  }
0x50: {  	v3 =	vld [tilespmem:$0x60];
	_ =	sdelay $0x4  }
0x51: {  	v62 =	vshll.u32 v3, $0x1  }
0x52: {  	v3 =	vand.u32 $0x7, v3;
	v4 =	vand.u32 $0xFFFFFFF0, v62  }
0x53: {  	v3 =	vor.u32 v3, v4  }
0x54: {  	v4 =	vperm.xlane v3, v0;
	_ =	sdelay $0x1  }
0x55: {  	v3 =	vperm.xlane v3, v2;
	v4 =	vadd.s32 v1, v4;
	_ =	sdelay $0x1  }
0x56: {  	v3 =	vadd.s32 v1, v3;
	_ =	sdelay $0x2  }
0x57: {  	[tilespmem:s20], [sflag:$0x1] =	stream.indirect_vreg.gather [hbm4b:s1+s3], $0x80, v4, vm0, $0xb8;
	[tilespmem:$0x8080] =	vst v63  }
0x58: {  	_ = 	snop  }
0x59: {  	[tilespmem:s21], [sflag:$0x1] =	stream.indirect_vreg.gather [hbm4b:s1+s3], $0x80, v3, vm0, $0xb8;
	[tilespmem:$0x8080] =	vst v63  }
0x5a: {  	v3 =	vld [tilespmem:$0x70];
	_ =	sdelay $0x4  }
0x5b: {  	v63 =	vshll.u32 v3, $0x1  }
0x5c: {  	v3 =	vand.u32 $0x7, v3;
	v4 =	vand.u32 $0xFFFFFFF0, v63  }
0x5d: {  	v3 =	vor.u32 v3, v4  }
0x5e: {  	v4 =	vperm.xlane v3, v0;
	_ =	sdelay $0x1  }
0x5f: {  	v3 =	vperm.xlane v3, v2;
	v4 =	vadd.s32 v1, v4;
	_ =	sdelay $0x1  }
0x60: {  	v3 =	vadd.s32 v1, v3;
	_ =	sdelay $0x2  }
0x61: {  	[tilespmem:s22], [sflag:$0x1] =	stream.indirect_vreg.gather [hbm4b:s1+s3], $0x80, v4, vm0, $0xb8;
	[tilespmem:$0x8080] =	vst v63  }
0x62: {  	_ = 	snop  }
0x63: {  	[tilespmem:s23], [sflag:$0x1] =	stream.indirect_vreg.gather [hbm4b:s1+s3], $0x80, v3, vm0, $0xb8;
	[tilespmem:$0x8080] =	vst v63  }
0x64: {  	_ =	swait.ge [sflag:s24], $0x8000  }
0x65: {  	p0 =	sne.s32 s6, $0x1;
	[sflag:s24] =	ssyncset.done $0x0  }
.Ltmp0:
0x66: {  	[sflag:s24] =	ssyncadd.s32 $0xFFFF8000;
	(pc) =	sbr.rel @p0 .LBB2_1-.Ltmp0, $4  }
0x67: {  	[hbm4b:s5+s3] =	stream.linear.scatter [tilespmem:s8], [sflag:$0x2], $0x8000, $0x38;
	[tilespmem:$0x8080] =	vst v63  }
0x68: {  	_ =	swait.ge [sflag:s7], $0x8000  }
0x69: {  	[sflag:s7] =	ssyncset.done $0x0  }
0x6a: {  	s6 =	sadd.s32 $0xFFFFFFFF, s6;
	[sflag:s7] =	ssyncadd.s32 $0xFFFF8000  }
0x6b: {  	_ =	sfence.sel $0x180000  }
0x6c: {  	[bflag:$0x0] =	sbarrier.arrive $0xFFFF  }
0x6d: {  	p0 =	sne.s32 s2, $0x0;
	_ =	strace $0x90000047  }
0x6e: {  	s0 =	sadd.s32 @!p0 $0x100000, s0;
	[bflag:$0x2] =	sbarrier.arrive $0xFFFF  }
0x6f: {  	[sflag:s0] =	ssyncadd.tile.s32 @!p0 $0x1;
	_ =	shalt  }
.Lfunc_end2:
_tile_overlayer_lowered:
.L_overlay_start_2:
0x70: {  	(tag) =	ssettag $0x2  }
0x71: {  	s0 =	rddreg [dreg:$0x0];
	s2 =	stileid.u32  }
0x72: {  	s1 =	rddreg [dreg:$0x1];
	p0 =	sne.s32 s2, $0x0  }
0x73: {  	s3 =	rddreg [dreg:$0x2];
	[bflag:$0x3] =	sbarrier.arrive $0xFFFF;
	s2 =	simm.s32 @!p0 $0x1C02  }
0x74: {  	[timem:s3], [sflag:s2] =	dma.local @!p0 [hbm:s0], s1  }
0x75: {  	s0 =	simm.s32 @!p0 $0x2  }
0x76: {  	_ =	swait.ge @!p0 [sflag:s0], s1  }
0x77: {  	s1 =	ssub.s32 @!p0 $0x0, s1;
	[sflag:s0] =	ssyncset.done @!p0 $0x0  }
0x78: {  	[sflag:s0] =	ssyncadd.s32 @!p0 s1  }
0x79: {  	[bflag:$0x3] =	sbarrier.arrive $0xFFFF  }
0x7a: {  	_ =	shalt  }

</sc_bundles>
